<compile_context>
chip_gen: v7x
topology: tpu7x:2x2x1
jax: 0.10.2.dev20260603
libtpu: 0.0.44.dev20260713+nightly
codegen_flags: <defaults>
</compile_context>

<pallas_src>
import functools

import jax
import jax.numpy as jnp
from jax import lax
from jax.experimental import pallas as pl
from jax.experimental.pallas import tpu as pltpu
from jax.experimental.pallas import tpu_sc as plsc

LANES = 16
NUM_WORKERS = 32


def kernel(input, target, idx_expanded):
    b, n, _, h, w = input.shape
    s = idx_expanded.shape[2]
    p_total = b * n
    pairs_per_worker = p_total // NUM_WORKERS

    inp = input.reshape(p_total, h, w)
    tgt = target.reshape(p_total, h, w)
    idx = idx_expanded.reshape(p_total, s, h)

    mesh = plsc.VectorSubcoreMesh(core_axis_name="c", subcore_axis_name="s")

    value_tile = pltpu.VMEM((h, s + 1), jnp.float32)
    index_tile = pltpu.VMEM((s, h), jnp.int32)

    @functools.partial(
        pl.kernel,
        mesh=mesh,
        compiler_params=pltpu.CompilerParams(
            use_tc_tiling_on_sc=False, needs_layout_passes=False
        ),
        out_type=jax.ShapeDtypeStruct((NUM_WORKERS, LANES), jnp.float32),
        scratch_types=[
            value_tile,
            value_tile,
            index_tile,
            value_tile,
            value_tile,
            index_tile,
            pltpu.VMEM((LANES,), jnp.float32),
            pltpu.SemaphoreType.DMA,
            pltpu.SemaphoreType.DMA,
        ],
    )
    def sc_kernel(
        inp_hbm, tgt_hbm, idx_hbm, out_hbm,
        in_a, tg_a, ix_a, in_b, tg_b, ix_b, acc_v, sem_a, sem_b,
    ):
        wid = lax.axis_index("s") * 2 + lax.axis_index("c")
        base = wid * pairs_per_worker
        bufs = ((in_a, tg_a, ix_a, sem_a), (in_b, tg_b, ix_b, sem_b))

        def copies(p, buf):
            in_v, tg_v, ix_v, sem = buf
            return (
                pltpu.make_async_copy(
                    inp_hbm.at[p, :, pl.ds(0, s)], in_v.at[:, pl.ds(0, s)], sem
                ),
                pltpu.make_async_copy(
                    tgt_hbm.at[p, :, pl.ds(0, s)], tg_v.at[:, pl.ds(0, s)], sem
                ),
                pltpu.make_async_copy(idx_hbm.at[p], ix_v, sem),
            )

        def start(p, buf):
            for c in copies(p, buf):
                c.start()

        def wait(p, buf):
            for c in copies(p, buf):
                c.wait()

        def compute(buf, acc):
            in_v, tg_v, ix_v, _ = buf

            @pl.loop(0, h)
            def _(q):
                for c in range(s // LANES):
                    sl = pl.ds(c * LANES, LANES)
                    in_v[q, sl] = in_v[q, sl] - tg_v[q, sl]

            def row_body(i, acc_i):
                col = jnp.full((LANES,), i, dtype=jnp.int32)
                for jc in range(h // LANES):
                    iv = ix_v[i, pl.ds(jc * LANES, LANES)]
                    d = plsc.load_gather(in_v, [iv, col])
                    acc_i = acc_i + d * d
                return acc_i

            return lax.fori_loop(0, s, row_body, acc)

        start(base, bufs[0])
        start(base + 1, bufs[1])

        def pair_pair_body(k, acc):
            pp = 2 * k
            p0 = base + pp
            p1 = base + pp + 1
            wait(p0, bufs[0])
            acc = compute(bufs[0], acc)

            @pl.when(pp + 2 < pairs_per_worker)
            def _():
                start(p0 + 2, bufs[0])

            wait(p1, bufs[1])
            acc = compute(bufs[1], acc)

            @pl.when(pp + 3 < pairs_per_worker)
            def _():
                start(p1 + 2, bufs[1])

            return acc

        acc = lax.fori_loop(
            0, pairs_per_worker // 2, pair_pair_body,
            jnp.zeros((LANES,), jnp.float32),
        )
        acc_v[...] = acc
        pltpu.sync_copy(acc_v, out_hbm.at[wid])

    partials = sc_kernel(inp, tgt, idx)
    return jnp.sum(partials) / (b * n * s * h)

# --- scband reference (transcript-rebuilt; emitter-appended) ---
"""Pipeline reference for scband-pjc2d-loss-23845658427503 (READ-ONLY COPY).

The authoritative reference and input builder live on the scoring server;
editing this copy changes nothing except your own understanding.
"""

import jax, jax.numpy as jnp
import numpy as np


def setup_inputs(seed: int = 0) -> dict:
    key = jax.random.key(seed)
    k1, k2, k3 = jax.random.split(key, 3)
    b, n, s, hw = 32, 32, 64, 128
    inp = jax.random.normal(k1, (b, n, 1, hw, hw), dtype=jnp.float32)
    tgt = jax.random.normal(k2, (b, n, 1, hw, hw), dtype=jnp.float32)
    idx = jax.random.randint(k3, (b, n, s, hw), 0, hw, dtype=jnp.int32)
    return {"input": inp, "target": tgt, "idx_expanded": idx}


def reference(input, target, idx_expanded):
    # input: (b, n, 1, h, w) with h == w; target same; idx_expanded: (b, n, s, h)
    b, n, c, w, h = input.shape
    s = idx_expanded.shape[2]
    x = jnp.transpose(jnp.squeeze(input, 2), (0, 1, 3, 2))
    t = jnp.transpose(jnp.squeeze(target, 2), (0, 1, 3, 2))
    # torch.gather(dim=-1) with index.size(2)=s <= input.size(2)=h only reads
    # the first s rows along dim 2, so slice before take_along_axis.
    xs = jnp.take_along_axis(x[:, :, :s, :], idx_expanded, axis=-1)
    ts = jnp.take_along_axis(t[:, :, :s, :], idx_expanded, axis=-1)
    return jnp.mean((xs - ts) ** 2)

if __name__ == "__main__":
    import jax
    _d = setup_inputs()
    print(jax.jit(kernel)(*tuple(_d.values())))

</pallas_src>

<mosaic_0001>
#map = affine_map<(d0, d1) -> (0, 0, 0)>
#map1 = affine_map<(d0, d1) -> (0, 0)>
module attributes {stable_mosaic.version = 14 : i64} {
  func.func @sc_kernel(%arg0: i32, %arg1: i32, %arg2: memref<1024x128x128xf32, #tpu.memory_space<hbm>>, %arg3: memref<1024x128x128xf32, #tpu.memory_space<hbm>>, %arg4: memref<1024x64x128xi32, #tpu.memory_space<hbm>>, %arg5: memref<32x16xf32, #tpu.memory_space<hbm>>, %arg6: memref<128x65xf32, #tpu.memory_space<vmem>>, %arg7: memref<128x65xf32, #tpu.memory_space<vmem>>, %arg8: memref<64x128xi32, #tpu.memory_space<vmem>>, %arg9: memref<128x65xf32, #tpu.memory_space<vmem>>, %arg10: memref<128x65xf32, #tpu.memory_space<vmem>>, %arg11: memref<64x128xi32, #tpu.memory_space<vmem>>, %arg12: memref<16xf32, #tpu.memory_space<vmem>>, %arg13: memref<!tpu.dma_semaphore, #tpu.memory_space<semaphore_mem>>, %arg14: memref<!tpu.dma_semaphore, #tpu.memory_space<semaphore_mem>>) attributes {dimension_semantics = [#tpu.dimension_semantics<core_parallel>, #tpu.dimension_semantics<subcore_parallel>], iteration_bounds = array<i64: 2, 16>, scalar_prefetch = 0 : i64, scratch_operands = 9 : i64, tpu.core_type = #tpu.core_type<sc_vector_subcore>, window_params = [{transform_indices = #map}, {transform_indices = #map}, {transform_indices = #map}, {transform_indices = #map1}]} {
    %mul3A = arith.constant 2 : i32
    %mul3A_0 = arith.muli %arg1, %mul3A : i32
    %add3A = arith.addi %mul3A_0, %arg0 : i32
    %mul3A_1 = arith.constant 32 : i32
    %mul3A_2 = arith.muli %add3A, %mul3A_1 : i32
    %dma_start3A = arith.constant 0 : i32
    %dma_start3A_3 = arith.constant 0 : i32
    %dma_start3A_4 = tpu.memref_slice %arg6[%dma_start3A, %dma_start3A_3] : memref<128x65xf32, #tpu.memory_space<vmem>> -> memref<128x64xf32, #tpu.memory_space<vmem>>
    %dma_start3A_5 = arith.constant 0 : i32
    %dma_start3A_6 = arith.constant 0 : i32
    %dma_start3A_7 = tpu.memref_slice %arg2[%mul3A_2, %dma_start3A_5, %dma_start3A_6] : memref<1024x128x128xf32, #tpu.memory_space<hbm>> -> memref<1x128x64xf32, #tpu.memory_space<hbm>>
    %dma_start3A_8 = tpu.memref_squeeze %dma_start3A_7 : memref<1x128x64xf32, #tpu.memory_space<hbm>> -> memref<128x64xf32, #tpu.memory_space<hbm>>
    %dma_start3A_9 = arith.constant 0 : i32
    %dma_start3A_10 = arith.constant 0 : i32
    %dma_start3A_11 = tpu.memref_slice %arg6[%dma_start3A_9, %dma_start3A_10] : memref<128x65xf32, #tpu.memory_space<vmem>> -> memref<128x64xf32, #tpu.memory_space<vmem>>
    %dma_start3A_12 = arith.constant 0 : i32
    %dma_start3A_13 = arith.constant 0 : i32
    %dma_start3A_14 = tpu.memref_slice %arg2[%mul3A_2, %dma_start3A_12, %dma_start3A_13] : memref<1024x128x128xf32, #tpu.memory_space<hbm>> -> memref<1x128x64xf32, #tpu.memory_space<hbm>>
    %dma_start3A_15 = tpu.memref_squeeze %dma_start3A_14 : memref<1x128x64xf32, #tpu.memory_space<hbm>> -> memref<128x64xf32, #tpu.memory_space<hbm>>
    tpu.enqueue_dma source(%dma_start3A_15 : memref<128x64xf32, #tpu.memory_space<hbm>>) target(%dma_start3A_11 : memref<128x64xf32, #tpu.memory_space<vmem>>) target_semaphore(%arg13 : memref<!tpu.dma_semaphore, #tpu.memory_space<semaphore_mem>>)
    %dma_start3A_16 = arith.constant 0 : i32
    %dma_start3A_17 = arith.constant 0 : i32
    %dma_start3A_18 = tpu.memref_slice %arg7[%dma_start3A_16, %dma_start3A_17] : memref<128x65xf32, #tpu.memory_space<vmem>> -> memref<128x64xf32, #tpu.memory_space<vmem>>
    %dma_start3A_19 = arith.constant 0 : i32
    %dma_start3A_20 = arith.constant 0 : i32
    %dma_start3A_21 = tpu.memref_slice %arg3[%mul3A_2, %dma_start3A_19, %dma_start3A_20] : memref<1024x128x128xf32, #tpu.memory_space<hbm>> -> memref<1x128x64xf32, #tpu.memory_space<hbm>>
    %dma_start3A_22 = tpu.memref_squeeze %dma_start3A_21 : memref<1x128x64xf32, #tpu.memory_space<hbm>> -> memref<128x64xf32, #tpu.memory_space<hbm>>
    %dma_start3A_23 = arith.constant 0 : i32
    %dma_start3A_24 = arith.constant 0 : i32
    %dma_start3A_25 = tpu.memref_slice %arg7[%dma_start3A_23, %dma_start3A_24] : memref<128x65xf32, #tpu.memory_space<vmem>> -> memref<128x64xf32, #tpu.memory_space<vmem>>
    %dma_start3A_26 = arith.constant 0 : i32
    %dma_start3A_27 = arith.constant 0 : i32
    %dma_start3A_28 = tpu.memref_slice %arg3[%mul3A_2, %dma_start3A_26, %dma_start3A_27] : memref<1024x128x128xf32, #tpu.memory_space<hbm>> -> memref<1x128x64xf32, #tpu.memory_space<hbm>>
    %dma_start3A_29 = tpu.memref_squeeze %dma_start3A_28 : memref<1x128x64xf32, #tpu.memory_space<hbm>> -> memref<128x64xf32, #tpu.memory_space<hbm>>
    tpu.enqueue_dma source(%dma_start3A_29 : memref<128x64xf32, #tpu.memory_space<hbm>>) target(%dma_start3A_25 : memref<128x64xf32, #tpu.memory_space<vmem>>) target_semaphore(%arg13 : memref<!tpu.dma_semaphore, #tpu.memory_space<semaphore_mem>>)
    %dma_start3A_30 = arith.constant 0 : i32
    %dma_start3A_31 = arith.constant 0 : i32
    %dma_start3A_32 = tpu.memref_slice %arg4[%mul3A_2, %dma_start3A_30, %dma_start3A_31] : memref<1024x64x128xi32, #tpu.memory_space<hbm>> -> memref<1x64x128xi32, #tpu.memory_space<hbm>>
    %dma_start3A_33 = tpu.memref_squeeze %dma_start3A_32 : memref<1x64x128xi32, #tpu.memory_space<hbm>> -> memref<64x128xi32, #tpu.memory_space<hbm>>
    %dma_start3A_34 = arith.constant 0 : i32
    %dma_start3A_35 = arith.constant 0 : i32
    %dma_start3A_36 = tpu.memref_slice %arg4[%mul3A_2, %dma_start3A_34, %dma_start3A_35] : memref<1024x64x128xi32, #tpu.memory_space<hbm>> -> memref<1x64x128xi32, #tpu.memory_space<hbm>>
    %dma_start3A_37 = tpu.memref_squeeze %dma_start3A_36 : memref<1x64x128xi32, #tpu.memory_space<hbm>> -> memref<64x128xi32, #tpu.memory_space<hbm>>
    tpu.enqueue_dma source(%dma_start3A_37 : memref<64x128xi32, #tpu.memory_space<hbm>>) target(%arg8 : memref<64x128xi32, #tpu.memory_space<vmem>>) target_semaphore(%arg13 : memref<!tpu.dma_semaphore, #tpu.memory_space<semaphore_mem>>)
    %add3A_38 = arith.constant 1 : i32
    %add3A_39 = arith.addi %mul3A_2, %add3A_38 : i32
    %dma_start3A_40 = arith.constant 0 : i32
    %dma_start3A_41 = arith.constant 0 : i32
    %dma_start3A_42 = tpu.memref_slice %arg9[%dma_start3A_40, %dma_start3A_41] : memref<128x65xf32, #tpu.memory_space<vmem>> -> memref<128x64xf32, #tpu.memory_space<vmem>>
    %dma_start3A_43 = arith.constant 0 : i32
    %dma_start3A_44 = arith.constant 0 : i32
    %dma_start3A_45 = tpu.memref_slice %arg2[%add3A_39, %dma_start3A_43, %dma_start3A_44] : memref<1024x128x128xf32, #tpu.memory_space<hbm>> -> memref<1x128x64xf32, #tpu.memory_space<hbm>>
    %dma_start3A_46 = tpu.memref_squeeze %dma_start3A_45 : memref<1x128x64xf32, #tpu.memory_space<hbm>> -> memref<128x64xf32, #tpu.memory_space<hbm>>
    %dma_start3A_47 = arith.constant 0 : i32
    %dma_start3A_48 = arith.constant 0 : i32
    %dma_start3A_49 = tpu.memref_slice %arg9[%dma_start3A_47, %dma_start3A_48] : memref<128x65xf32, #tpu.memory_space<vmem>> -> memref<128x64xf32, #tpu.memory_space<vmem>>
    %dma_start3A_50 = arith.constant 0 : i32
    %dma_start3A_51 = arith.constant 0 : i32
    %dma_start3A_52 = tpu.memref_slice %arg2[%add3A_39, %dma_start3A_50, %dma_start3A_51] : memref<1024x128x128xf32, #tpu.memory_space<hbm>> -> memref<1x128x64xf32, #tpu.memory_space<hbm>>
    %dma_start3A_53 = tpu.memref_squeeze %dma_start3A_52 : memref<1x128x64xf32, #tpu.memory_space<hbm>> -> memref<128x64xf32, #tpu.memory_space<hbm>>
    tpu.enqueue_dma source(%dma_start3A_53 : memref<128x64xf32, #tpu.memory_space<hbm>>) target(%dma_start3A_49 : memref<128x64xf32, #tpu.memory_space<vmem>>) target_semaphore(%arg14 : memref<!tpu.dma_semaphore, #tpu.memory_space<semaphore_mem>>)
    %dma_start3A_54 = arith.constant 0 : i32
    %dma_start3A_55 = arith.constant 0 : i32
    %dma_start3A_56 = tpu.memref_slice %arg10[%dma_start3A_54, %dma_start3A_55] : memref<128x65xf32, #tpu.memory_space<vmem>> -> memref<128x64xf32, #tpu.memory_space<vmem>>
    %dma_start3A_57 = arith.constant 0 : i32
    %dma_start3A_58 = arith.constant 0 : i32
    %dma_start3A_59 = tpu.memref_slice %arg3[%add3A_39, %dma_start3A_57, %dma_start3A_58] : memref<1024x128x128xf32, #tpu.memory_space<hbm>> -> memref<1x128x64xf32, #tpu.memory_space<hbm>>
    %dma_start3A_60 = tpu.memref_squeeze %dma_start3A_59 : memref<1x128x64xf32, #tpu.memory_space<hbm>> -> memref<128x64xf32, #tpu.memory_space<hbm>>
    %dma_start3A_61 = arith.constant 0 : i32
    %dma_start3A_62 = arith.constant 0 : i32
    %dma_start3A_63 = tpu.memref_slice %arg10[%dma_start3A_61, %dma_start3A_62] : memref<128x65xf32, #tpu.memory_space<vmem>> -> memref<128x64xf32, #tpu.memory_space<vmem>>
    %dma_start3A_64 = arith.constant 0 : i32
    %dma_start3A_65 = arith.constant 0 : i32
    %dma_start3A_66 = tpu.memref_slice %arg3[%add3A_39, %dma_start3A_64, %dma_start3A_65] : memref<1024x128x128xf32, #tpu.memory_space<hbm>> -> memref<1x128x64xf32, #tpu.memory_space<hbm>>
    %dma_start3A_67 = tpu.memref_squeeze %dma_start3A_66 : memref<1x128x64xf32, #tpu.memory_space<hbm>> -> memref<128x64xf32, #tpu.memory_space<hbm>>
    tpu.enqueue_dma source(%dma_start3A_67 : memref<128x64xf32, #tpu.memory_space<hbm>>) target(%dma_start3A_63 : memref<128x64xf32, #tpu.memory_space<vmem>>) target_semaphore(%arg14 : memref<!tpu.dma_semaphore, #tpu.memory_space<semaphore_mem>>)
    %dma_start3A_68 = arith.constant 0 : i32
    %dma_start3A_69 = arith.constant 0 : i32
    %dma_start3A_70 = tpu.memref_slice %arg4[%add3A_39, %dma_start3A_68, %dma_start3A_69] : memref<1024x64x128xi32, #tpu.memory_space<hbm>> -> memref<1x64x128xi32, #tpu.memory_space<hbm>>
    %dma_start3A_71 = tpu.memref_squeeze %dma_start3A_70 : memref<1x64x128xi32, #tpu.memory_space<hbm>> -> memref<64x128xi32, #tpu.memory_space<hbm>>
    %dma_start3A_72 = arith.constant 0 : i32
    %dma_start3A_73 = arith.constant 0 : i32
    %dma_start3A_74 = tpu.memref_slice %arg4[%add3A_39, %dma_start3A_72, %dma_start3A_73] : memref<1024x64x128xi32, #tpu.memory_space<hbm>> -> memref<1x64x128xi32, #tpu.memory_space<hbm>>
    %dma_start3A_75 = tpu.memref_squeeze %dma_start3A_74 : memref<1x64x128xi32, #tpu.memory_space<hbm>> -> memref<64x128xi32, #tpu.memory_space<hbm>>
    tpu.enqueue_dma source(%dma_start3A_75 : memref<64x128xi32, #tpu.memory_space<hbm>>) target(%arg11 : memref<64x128xi32, #tpu.memory_space<vmem>>) target_semaphore(%arg14 : memref<!tpu.dma_semaphore, #tpu.memory_space<semaphore_mem>>)
    %broadcast_in_dim3A = arith.constant 0.000000e+00 : f32
    %broadcast_in_dim3A_76 = vector.broadcast %broadcast_in_dim3A : f32 to vector<16xf32>
    %scan3A = arith.constant 0 : i32
    %scan3A_77 = arith.constant 16 : i32
    %scan3A_78 = arith.addi %scan3A, %scan3A_77 : i32
    %scan3A_79 = arith.constant 1 : i32
    %scan3A_80 = scf.for %scan3A_83 = %scan3A to %scan3A_78 step %scan3A_79 iter_args(%scan3A_84 = %broadcast_in_dim3A_76) -> (vector<16xf32>)  : i32 {
      %mul3A_85 = arith.constant 2 : i32
      %mul3A_86 = arith.muli %mul3A_85, %scan3A_83 : i32
      %add3A_87 = arith.addi %mul3A_2, %mul3A_86 : i32
      %add3A_88 = arith.addi %mul3A_2, %mul3A_86 : i32
      %add3A_89 = arith.constant 1 : i32
      %add3A_90 = arith.addi %add3A_88, %add3A_89 : i32
      %dma_wait3A = arith.constant 0 : i32
      %dma_wait3A_91 = arith.constant 0 : i32
      %dma_wait3A_92 = tpu.memref_slice %arg6[%dma_wait3A, %dma_wait3A_91] : memref<128x65xf32, #tpu.memory_space<vmem>> -> memref<128x64xf32, #tpu.memory_space<vmem>>
      %dma_wait3A_93 = arith.constant 0 : i32
      %dma_wait3A_94 = arith.constant 0 : i32
      %dma_wait3A_95 = tpu.memref_slice %arg2[%add3A_87, %dma_wait3A_93, %dma_wait3A_94] : memref<1024x128x128xf32, #tpu.memory_space<hbm>> -> memref<1x128x64xf32, #tpu.memory_space<hbm>>
      %dma_wait3A_96 = tpu.memref_squeeze %dma_wait3A_95 : memref<1x128x64xf32, #tpu.memory_space<hbm>> -> memref<128x64xf32, #tpu.memory_space<hbm>>
      %dma_wait3A_97 = arith.constant 0 : i32
      %dma_wait3A_98 = arith.constant 0 : i32
      %dma_wait3A_99 = tpu.memref_slice %arg6[%dma_wait3A_97, %dma_wait3A_98] : memref<128x65xf32, #tpu.memory_space<vmem>> -> memref<128x64xf32, #tpu.memory_space<vmem>>
      %dma_wait3A_100 = arith.constant 0 : i32
      %dma_wait3A_101 = arith.constant 0 : i32
      %dma_wait3A_102 = tpu.memref_slice %arg2[%add3A_87, %dma_wait3A_100, %dma_wait3A_101] : memref<1024x128x128xf32, #tpu.memory_space<hbm>> -> memref<1x128x64xf32, #tpu.memory_space<hbm>>
      %dma_wait3A_103 = tpu.memref_squeeze %dma_wait3A_102 : memref<1x128x64xf32, #tpu.memory_space<hbm>> -> memref<128x64xf32, #tpu.memory_space<hbm>>
      tpu.wait_dma2 semaphore(%arg13 : memref<!tpu.dma_semaphore, #tpu.memory_space<semaphore_mem>>) src(%dma_wait3A_103 : memref<128x64xf32, #tpu.memory_space<hbm>>) dst(%dma_wait3A_99 : memref<128x64xf32, #tpu.memory_space<vmem>>)
      %dma_wait3A_104 = arith.constant 0 : i32
      %dma_wait3A_105 = arith.constant 0 : i32
      %dma_wait3A_106 = tpu.memref_slice %arg7[%dma_wait3A_104, %dma_wait3A_105] : memref<128x65xf32, #tpu.memory_space<vmem>> -> memref<128x64xf32, #tpu.memory_space<vmem>>
      %dma_wait3A_107 = arith.constant 0 : i32
      %dma_wait3A_108 = arith.constant 0 : i32
      %dma_wait3A_109 = tpu.memref_slice %arg3[%add3A_87, %dma_wait3A_107, %dma_wait3A_108] : memref<1024x128x128xf32, #tpu.memory_space<hbm>> -> memref<1x128x64xf32, #tpu.memory_space<hbm>>
      %dma_wait3A_110 = tpu.memref_squeeze %dma_wait3A_109 : memref<1x128x64xf32, #tpu.memory_space<hbm>> -> memref<128x64xf32, #tpu.memory_space<hbm>>
      %dma_wait3A_111 = arith.constant 0 : i32
      %dma_wait3A_112 = arith.constant 0 : i32
      %dma_wait3A_113 = tpu.memref_slice %arg7[%dma_wait3A_111, %dma_wait3A_112] : memref<128x65xf32, #tpu.memory_space<vmem>> -> memref<128x64xf32, #tpu.memory_space<vmem>>
      %dma_wait3A_114 = arith.constant 0 : i32
      %dma_wait3A_115 = arith.constant 0 : i32
      %dma_wait3A_116 = tpu.memref_slice %arg3[%add3A_87, %dma_wait3A_114, %dma_wait3A_115] : memref<1024x128x128xf32, #tpu.memory_space<hbm>> -> memref<1x128x64xf32, #tpu.memory_space<hbm>>
      %dma_wait3A_117 = tpu.memref_squeeze %dma_wait3A_116 : memref<1x128x64xf32, #tpu.memory_space<hbm>> -> memref<128x64xf32, #tpu.memory_space<hbm>>
      tpu.wait_dma2 semaphore(%arg13 : memref<!tpu.dma_semaphore, #tpu.memory_space<semaphore_mem>>) src(%dma_wait3A_117 : memref<128x64xf32, #tpu.memory_space<hbm>>) dst(%dma_wait3A_113 : memref<128x64xf32, #tpu.memory_space<vmem>>)
      %dma_wait3A_118 = arith.constant 0 : i32
      %dma_wait3A_119 = arith.constant 0 : i32
      %dma_wait3A_120 = tpu.memref_slice %arg4[%add3A_87, %dma_wait3A_118, %dma_wait3A_119] : memref<1024x64x128xi32, #tpu.memory_space<hbm>> -> memref<1x64x128xi32, #tpu.memory_space<hbm>>
      %dma_wait3A_121 = tpu.memref_squeeze %dma_wait3A_120 : memref<1x64x128xi32, #tpu.memory_space<hbm>> -> memref<64x128xi32, #tpu.memory_space<hbm>>
      %dma_wait3A_122 = arith.constant 0 : i32
      %dma_wait3A_123 = arith.constant 0 : i32
      %dma_wait3A_124 = tpu.memref_slice %arg4[%add3A_87, %dma_wait3A_122, %dma_wait3A_123] : memref<1024x64x128xi32, #tpu.memory_space<hbm>> -> memref<1x64x128xi32, #tpu.memory_space<hbm>>
      %dma_wait3A_125 = tpu.memref_squeeze %dma_wait3A_124 : memref<1x64x128xi32, #tpu.memory_space<hbm>> -> memref<64x128xi32, #tpu.memory_space<hbm>>
      tpu.wait_dma2 semaphore(%arg13 : memref<!tpu.dma_semaphore, #tpu.memory_space<semaphore_mem>>) src(%dma_wait3A_125 : memref<64x128xi32, #tpu.memory_space<hbm>>) dst(%arg8 : memref<64x128xi32, #tpu.memory_space<vmem>>)
      %scan3A_126 = arith.constant 0 : i32
      %scan3A_127 = arith.constant 128 : i32
      %scan3A_128 = arith.addi %scan3A_126, %scan3A_127 : i32
      %scan3A_129 = arith.constant 1 : i32
      scf.for %scan3A_195 = %scan3A_126 to %scan3A_128 step %scan3A_129  : i32 {
        %mul3A_196 = arith.constant 1 : i32
        %mul3A_197 = arith.muli %scan3A_195, %mul3A_196 : i32
        %add3A_198 = arith.constant 0 : i32
        %add3A_199 = arith.addi %add3A_198, %mul3A_197 : i32
        %get3A = arith.index_cast %add3A_199 : i32 to index
        %get3A_200 = arith.constant 0 : index
        %get3A_201 = tpu.vector_load %arg6[%get3A, %get3A_200] {strides = array<i32>} : memref<128x65xf32, #tpu.memory_space<vmem>>, vector<16xf32>,
        %get3A_202 = arith.index_cast %add3A_199 : i32 to index
        %get3A_203 = arith.constant 0 : index
        %get3A_204 = tpu.vector_load %arg7[%get3A_202, %get3A_203] {strides = array<i32>} : memref<128x65xf32, #tpu.memory_space<vmem>>, vector<16xf32>,
        %sub3A = arith.subf %get3A_201, %get3A_204 : vector<16xf32>
        %swap3A_205 = arith.index_cast %add3A_199 : i32 to index
        %swap3A_206 = arith.constant 0 : index
        %swap3A_207 = tpu.vector_load %arg6[%swap3A_205, %swap3A_206] {strides = array<i32>} : memref<128x65xf32, #tpu.memory_space<vmem>>, vector<16xf32>,
        tpu.vector_store %arg6[%swap3A_205, %swap3A_206], %sub3A {strides = array<i32>} : memref<128x65xf32, #tpu.memory_space<vmem>>, vector<16xf32>,
        %get3A_208 = arith.index_cast %add3A_199 : i32 to index
        %get3A_209 = arith.constant 16 : index
        %get3A_210 = tpu.vector_load %arg6[%get3A_208, %get3A_209] {strides = array<i32>} : memref<128x65xf32, #tpu.memory_space<vmem>>, vector<16xf32>,
        %get3A_211 = arith.index_cast %add3A_199 : i32 to index
        %get3A_212 = arith.constant 16 : index
        %get3A_213 = tpu.vector_load %arg7[%get3A_211, %get3A_212] {strides = array<i32>} : memref<128x65xf32, #tpu.memory_space<vmem>>, vector<16xf32>,
        %sub3A_214 = arith.subf %get3A_210, %get3A_213 : vector<16xf32>
        %swap3A_215 = arith.index_cast %add3A_199 : i32 to index
        %swap3A_216 = arith.constant 16 : index
        %swap3A_217 = tpu.vector_load %arg6[%swap3A_215, %swap3A_216] {strides = array<i32>} : memref<128x65xf32, #tpu.memory_space<vmem>>, vector<16xf32>,
        tpu.vector_store %arg6[%swap3A_215, %swap3A_216], %sub3A_214 {strides = array<i32>} : memref<128x65xf32, #tpu.memory_space<vmem>>, vector<16xf32>,
        %get3A_218 = arith.index_cast %add3A_199 : i32 to index
        %get3A_219 = arith.constant 32 : index
        %get3A_220 = tpu.vector_load %arg6[%get3A_218, %get3A_219] {strides = array<i32>} : memref<128x65xf32, #tpu.memory_space<vmem>>, vector<16xf32>,
        %get3A_221 = arith.index_cast %add3A_199 : i32 to index
        %get3A_222 = arith.constant 32 : index
        %get3A_223 = tpu.vector_load %arg7[%get3A_221, %get3A_222] {strides = array<i32>} : memref<128x65xf32, #tpu.memory_space<vmem>>, vector<16xf32>,
        %sub3A_224 = arith.subf %get3A_220, %get3A_223 : vector<16xf32>
        %swap3A_225 = arith.index_cast %add3A_199 : i32 to index
        %swap3A_226 = arith.constant 32 : index
        %swap3A_227 = tpu.vector_load %arg6[%swap3A_225, %swap3A_226] {strides = array<i32>} : memref<128x65xf32, #tpu.memory_space<vmem>>, vector<16xf32>,
        tpu.vector_store %arg6[%swap3A_225, %swap3A_226], %sub3A_224 {strides = array<i32>} : memref<128x65xf32, #tpu.memory_space<vmem>>, vector<16xf32>,
        %get3A_228 = arith.index_cast %add3A_199 : i32 to index
        %get3A_229 = arith.constant 48 : index
        %get3A_230 = tpu.vector_load %arg6[%get3A_228, %get3A_229] {strides = array<i32>} : memref<128x65xf32, #tpu.memory_space<vmem>>, vector<16xf32>,
        %get3A_231 = arith.index_cast %add3A_199 : i32 to index
        %get3A_232 = arith.constant 48 : index
        %get3A_233 = tpu.vector_load %arg7[%get3A_231, %get3A_232] {strides = array<i32>} : memref<128x65xf32, #tpu.memory_space<vmem>>, vector<16xf32>,
        %sub3A_234 = arith.subf %get3A_230, %get3A_233 : vector<16xf32>
        %swap3A_235 = arith.index_cast %add3A_199 : i32 to index
        %swap3A_236 = arith.constant 48 : index
        %swap3A_237 = tpu.vector_load %arg6[%swap3A_235, %swap3A_236] {strides = array<i32>} : memref<128x65xf32, #tpu.memory_space<vmem>>, vector<16xf32>,
        tpu.vector_store %arg6[%swap3A_235, %swap3A_236], %sub3A_234 {strides = array<i32>} : memref<128x65xf32, #tpu.memory_space<vmem>>, vector<16xf32>,
      }
      %scan3A_130 = arith.constant 128 : i32
      %scan3A_131 = arith.constant 0 : i32
      %scan3A_132 = arith.constant 64 : i32
      %scan3A_133 = arith.addi %scan3A_131, %scan3A_132 : i32
      %scan3A_134 = arith.constant 1 : i32
      %scan3A_135 = scf.for %scan3A_195 = %scan3A_131 to %scan3A_133 step %scan3A_134 iter_args(%scan3A_196 = %scan3A_84) -> (vector<16xf32>)  : i32 {
        %broadcast_in_dim3A_197 = vector.broadcast %scan3A_195 : i32 to vector<16xi32>
        %get3A = arith.index_cast %scan3A_195 : i32 to index
        %get3A_198 = arith.constant 0 : index
        %get3A_199 = tpu.vector_load %arg8[%get3A, %get3A_198] {strides = array<i32>} : memref<64x128xi32, #tpu.memory_space<vmem>>, vector<16xi32>,
        %gather3A = tpu.vector_load_idx %arg6[%get3A_199, %broadcast_in_dim3A_197] : memref<128x65xf32, #tpu.memory_space<vmem>>[vector<16xi32>, vector<16xi32>], vector<16xf32>,
        %mul3A_200 = arith.mulf %gather3A, %gather3A : vector<16xf32>
        %add3A_201 = arith.addf %scan3A_196, %mul3A_200 : vector<16xf32>
        %get3A_202 = arith.index_cast %scan3A_195 : i32 to index
        %get3A_203 = arith.constant 16 : index
        %get3A_204 = tpu.vector_load %arg8[%get3A_202, %get3A_203] {strides = array<i32>} : memref<64x128xi32, #tpu.memory_space<vmem>>, vector<16xi32>,
        %gather3A_205 = tpu.vector_load_idx %arg6[%get3A_204, %broadcast_in_dim3A_197] : memref<128x65xf32, #tpu.memory_space<vmem>>[vector<16xi32>, vector<16xi32>], vector<16xf32>,
        %mul3A_206 = arith.mulf %gather3A_205, %gather3A_205 : vector<16xf32>
        %add3A_207 = arith.addf %add3A_201, %mul3A_206 : vector<16xf32>
        %get3A_208 = arith.index_cast %scan3A_195 : i32 to index
        %get3A_209 = arith.constant 32 : index
        %get3A_210 = tpu.vector_load %arg8[%get3A_208, %get3A_209] {strides = array<i32>} : memref<64x128xi32, #tpu.memory_space<vmem>>, vector<16xi32>,
        %gather3A_211 = tpu.vector_load_idx %arg6[%get3A_210, %broadcast_in_dim3A_197] : memref<128x65xf32, #tpu.memory_space<vmem>>[vector<16xi32>, vector<16xi32>], vector<16xf32>,
        %mul3A_212 = arith.mulf %gather3A_211, %gather3A_211 : vector<16xf32>
        %add3A_213 = arith.addf %add3A_207, %mul3A_212 : vector<16xf32>
        %get3A_214 = arith.index_cast %scan3A_195 : i32 to index
        %get3A_215 = arith.constant 48 : index
        %get3A_216 = tpu.vector_load %arg8[%get3A_214, %get3A_215] {strides = array<i32>} : memref<64x128xi32, #tpu.memory_space<vmem>>, vector<16xi32>,
        %gather3A_217 = tpu.vector_load_idx %arg6[%get3A_216, %broadcast_in_dim3A_197] : memref<128x65xf32, #tpu.memory_space<vmem>>[vector<16xi32>, vector<16xi32>], vector<16xf32>,
        %mul3A_218 = arith.mulf %gather3A_217, %gather3A_217 : vector<16xf32>
        %add3A_219 = arith.addf %add3A_213, %mul3A_218 : vector<16xf32>
        %get3A_220 = arith.index_cast %scan3A_195 : i32 to index
        %get3A_221 = arith.constant 64 : index
        %get3A_222 = tpu.vector_load %arg8[%get3A_220, %get3A_221] {strides = array<i32>} : memref<64x128xi32, #tpu.memory_space<vmem>>, vector<16xi32>,
        %gather3A_223 = tpu.vector_load_idx %arg6[%get3A_222, %broadcast_in_dim3A_197] : memref<128x65xf32, #tpu.memory_space<vmem>>[vector<16xi32>, vector<16xi32>], vector<16xf32>,
        %mul3A_224 = arith.mulf %gather3A_223, %gather3A_223 : vector<16xf32>
        %add3A_225 = arith.addf %add3A_219, %mul3A_224 : vector<16xf32>
        %get3A_226 = arith.index_cast %scan3A_195 : i32 to index
        %get3A_227 = arith.constant 80 : index
        %get3A_228 = tpu.vector_load %arg8[%get3A_226, %get3A_227] {strides = array<i32>} : memref<64x128xi32, #tpu.memory_space<vmem>>, vector<16xi32>,
        %gather3A_229 = tpu.vector_load_idx %arg6[%get3A_228, %broadcast_in_dim3A_197] : memref<128x65xf32, #tpu.memory_space<vmem>>[vector<16xi32>, vector<16xi32>], vector<16xf32>,
        %mul3A_230 = arith.mulf %gather3A_229, %gather3A_229 : vector<16xf32>
        %add3A_231 = arith.addf %add3A_225, %mul3A_230 : vector<16xf32>
        %get3A_232 = arith.index_cast %scan3A_195 : i32 to index
        %get3A_233 = arith.constant 96 : index
        %get3A_234 = tpu.vector_load %arg8[%get3A_232, %get3A_233] {strides = array<i32>} : memref<64x128xi32, #tpu.memory_space<vmem>>, vector<16xi32>,
        %gather3A_235 = tpu.vector_load_idx %arg6[%get3A_234, %broadcast_in_dim3A_197] : memref<128x65xf32, #tpu.memory_space<vmem>>[vector<16xi32>, vector<16xi32>], vector<16xf32>,
        %mul3A_236 = arith.mulf %gather3A_235, %gather3A_235 : vector<16xf32>
        %add3A_237 = arith.addf %add3A_231, %mul3A_236 : vector<16xf32>
        %get3A_238 = arith.index_cast %scan3A_195 : i32 to index
        %get3A_239 = arith.constant 112 : index
        %get3A_240 = tpu.vector_load %arg8[%get3A_238, %get3A_239] {strides = array<i32>} : memref<64x128xi32, #tpu.memory_space<vmem>>, vector<16xi32>,
        %gather3A_241 = tpu.vector_load_idx %arg6[%get3A_240, %broadcast_in_dim3A_197] : memref<128x65xf32, #tpu.memory_space<vmem>>[vector<16xi32>, vector<16xi32>], vector<16xf32>,
        %mul3A_242 = arith.mulf %gather3A_241, %gather3A_241 : vector<16xf32>
        %add3A_243 = arith.addf %add3A_237, %mul3A_242 : vector<16xf32>
        scf.yield %add3A_243 : vector<16xf32>
      }
      %scan3A_136 = arith.constant 64 : i32
      %add3A_137 = arith.constant 2 : i32
      %add3A_138 = arith.addi %mul3A_86, %add3A_137 : i32
      %lt3A = arith.constant 32 : i32
      %lt3A_139 = arith.cmpi slt, %add3A_138, %lt3A : i32
      %convert_element_type3A = arith.extui %lt3A_139 : i1 to i32
      %cond3A = arith.constant 0 : i32
      %cond3A_140 = arith.cmpi ne, %convert_element_type3A, %cond3A : i32
      scf.if %cond3A_140 {
        %add3A_195 = arith.constant 2 : i32
        %add3A_196 = arith.addi %add3A_87, %add3A_195 : i32
        %dma_start3A_197 = arith.constant 0 : i32
        %dma_start3A_198 = arith.constant 0 : i32
        %dma_start3A_199 = tpu.memref_slice %arg6[%dma_start3A_197, %dma_start3A_198] : memref<128x65xf32, #tpu.memory_space<vmem>> -> memref<128x64xf32, #tpu.memory_space<vmem>>
        %dma_start3A_200 = arith.constant 0 : i32
        %dma_start3A_201 = arith.constant 0 : i32
        %dma_start3A_202 = tpu.memref_slice %arg2[%add3A_196, %dma_start3A_200, %dma_start3A_201] : memref<1024x128x128xf32, #tpu.memory_space<hbm>> -> memref<1x128x64xf32, #tpu.memory_space<hbm>>
        %dma_start3A_203 = tpu.memref_squeeze %dma_start3A_202 : memref<1x128x64xf32, #tpu.memory_space<hbm>> -> memref<128x64xf32, #tpu.memory_space<hbm>>
        %dma_start3A_204 = arith.constant 0 : i32
        %dma_start3A_205 = arith.constant 0 : i32
        %dma_start3A_206 = tpu.memref_slice %arg6[%dma_start3A_204, %dma_start3A_205] : memref<128x65xf32, #tpu.memory_space<vmem>> -> memref<128x64xf32, #tpu.memory_space<vmem>>
        %dma_start3A_207 = arith.constant 0 : i32
        %dma_start3A_208 = arith.constant 0 : i32
        %dma_start3A_209 = tpu.memref_slice %arg2[%add3A_196, %dma_start3A_207, %dma_start3A_208] : memref<1024x128x128xf32, #tpu.memory_space<hbm>> -> memref<1x128x64xf32, #tpu.memory_space<hbm>>
        %dma_start3A_210 = tpu.memref_squeeze %dma_start3A_209 : memref<1x128x64xf32, #tpu.memory_space<hbm>> -> memref<128x64xf32, #tpu.memory_space<hbm>>
        tpu.enqueue_dma source(%dma_start3A_210 : memref<128x64xf32, #tpu.memory_space<hbm>>) target(%dma_start3A_206 : memref<128x64xf32, #tpu.memory_space<vmem>>) target_semaphore(%arg13 : memref<!tpu.dma_semaphore, #tpu.memory_space<semaphore_mem>>)
        %dma_start3A_211 = arith.constant 0 : i32
        %dma_start3A_212 = arith.constant 0 : i32
        %dma_start3A_213 = tpu.memref_slice %arg7[%dma_start3A_211, %dma_start3A_212] : memref<128x65xf32, #tpu.memory_space<vmem>> -> memref<128x64xf32, #tpu.memory_space<vmem>>
        %dma_start3A_214 = arith.constant 0 : i32
        %dma_start3A_215 = arith.constant 0 : i32
        %dma_start3A_216 = tpu.memref_slice %arg3[%add3A_196, %dma_start3A_214, %dma_start3A_215] : memref<1024x128x128xf32, #tpu.memory_space<hbm>> -> memref<1x128x64xf32, #tpu.memory_space<hbm>>
        %dma_start3A_217 = tpu.memref_squeeze %dma_start3A_216 : memref<1x128x64xf32, #tpu.memory_space<hbm>> -> memref<128x64xf32, #tpu.memory_space<hbm>>
        %dma_start3A_218 = arith.constant 0 : i32
        %dma_start3A_219 = arith.constant 0 : i32
        %dma_start3A_220 = tpu.memref_slice %arg7[%dma_start3A_218, %dma_start3A_219] : memref<128x65xf32, #tpu.memory_space<vmem>> -> memref<128x64xf32, #tpu.memory_space<vmem>>
        %dma_start3A_221 = arith.constant 0 : i32
        %dma_start3A_222 = arith.constant 0 : i32
        %dma_start3A_223 = tpu.memref_slice %arg3[%add3A_196, %dma_start3A_221, %dma_start3A_222] : memref<1024x128x128xf32, #tpu.memory_space<hbm>> -> memref<1x128x64xf32, #tpu.memory_space<hbm>>
        %dma_start3A_224 = tpu.memref_squeeze %dma_start3A_223 : memref<1x128x64xf32, #tpu.memory_space<hbm>> -> memref<128x64xf32, #tpu.memory_space<hbm>>
        tpu.enqueue_dma source(%dma_start3A_224 : memref<128x64xf32, #tpu.memory_space<hbm>>) target(%dma_start3A_220 : memref<128x64xf32, #tpu.memory_space<vmem>>) target_semaphore(%arg13 : memref<!tpu.dma_semaphore, #tpu.memory_space<semaphore_mem>>)
        %dma_start3A_225 = arith.constant 0 : i32
        %dma_start3A_226 = arith.constant 0 : i32
        %dma_start3A_227 = tpu.memref_slice %arg4[%add3A_196, %dma_start3A_225, %dma_start3A_226] : memref<1024x64x128xi32, #tpu.memory_space<hbm>> -> memref<1x64x128xi32, #tpu.memory_space<hbm>>
        %dma_start3A_228 = tpu.memref_squeeze %dma_start3A_227 : memref<1x64x128xi32, #tpu.memory_space<hbm>> -> memref<64x128xi32, #tpu.memory_space<hbm>>
        %dma_start3A_229 = arith.constant 0 : i32
        %dma_start3A_230 = arith.constant 0 : i32
        %dma_start3A_231 = tpu.memref_slice %arg4[%add3A_196, %dma_start3A_229, %dma_start3A_230] : memref<1024x64x128xi32, #tpu.memory_space<hbm>> -> memref<1x64x128xi32, #tpu.memory_space<hbm>>
        %dma_start3A_232 = tpu.memref_squeeze %dma_start3A_231 : memref<1x64x128xi32, #tpu.memory_space<hbm>> -> memref<64x128xi32, #tpu.memory_space<hbm>>
        tpu.enqueue_dma source(%dma_start3A_232 : memref<64x128xi32, #tpu.memory_space<hbm>>) target(%arg8 : memref<64x128xi32, #tpu.memory_space<vmem>>) target_semaphore(%arg13 : memref<!tpu.dma_semaphore, #tpu.memory_space<semaphore_mem>>)
      } else {
      }
      %dma_wait3A_141 = arith.constant 0 : i32
      %dma_wait3A_142 = arith.constant 0 : i32
      %dma_wait3A_143 = tpu.memref_slice %arg9[%dma_wait3A_141, %dma_wait3A_142] : memref<128x65xf32, #tpu.memory_space<vmem>> -> memref<128x64xf32, #tpu.memory_space<vmem>>
      %dma_wait3A_144 = arith.constant 0 : i32
      %dma_wait3A_145 = arith.constant 0 : i32
      %dma_wait3A_146 = tpu.memref_slice %arg2[%add3A_90, %dma_wait3A_144, %dma_wait3A_145] : memref<1024x128x128xf32, #tpu.memory_space<hbm>> -> memref<1x128x64xf32, #tpu.memory_space<hbm>>
      %dma_wait3A_147 = tpu.memref_squeeze %dma_wait3A_146 : memref<1x128x64xf32, #tpu.memory_space<hbm>> -> memref<128x64xf32, #tpu.memory_space<hbm>>
      %dma_wait3A_148 = arith.constant 0 : i32
      %dma_wait3A_149 = arith.constant 0 : i32
      %dma_wait3A_150 = tpu.memref_slice %arg9[%dma_wait3A_148, %dma_wait3A_149] : memref<128x65xf32, #tpu.memory_space<vmem>> -> memref<128x64xf32, #tpu.memory_space<vmem>>
      %dma_wait3A_151 = arith.constant 0 : i32
      %dma_wait3A_152 = arith.constant 0 : i32
      %dma_wait3A_153 = tpu.memref_slice %arg2[%add3A_90, %dma_wait3A_151, %dma_wait3A_152] : memref<1024x128x128xf32, #tpu.memory_space<hbm>> -> memref<1x128x64xf32, #tpu.memory_space<hbm>>
      %dma_wait3A_154 = tpu.memref_squeeze %dma_wait3A_153 : memref<1x128x64xf32, #tpu.memory_space<hbm>> -> memref<128x64xf32, #tpu.memory_space<hbm>>
      tpu.wait_dma2 semaphore(%arg14 : memref<!tpu.dma_semaphore, #tpu.memory_space<semaphore_mem>>) src(%dma_wait3A_154 : memref<128x64xf32, #tpu.memory_space<hbm>>) dst(%dma_wait3A_150 : memref<128x64xf32, #tpu.memory_space<vmem>>)
      %dma_wait3A_155 = arith.constant 0 : i32
      %dma_wait3A_156 = arith.constant 0 : i32
      %dma_wait3A_157 = tpu.memref_slice %arg10[%dma_wait3A_155, %dma_wait3A_156] : memref<128x65xf32, #tpu.memory_space<vmem>> -> memref<128x64xf32, #tpu.memory_space<vmem>>
      %dma_wait3A_158 = arith.constant 0 : i32
      %dma_wait3A_159 = arith.constant 0 : i32
      %dma_wait3A_160 = tpu.memref_slice %arg3[%add3A_90, %dma_wait3A_158, %dma_wait3A_159] : memref<1024x128x128xf32, #tpu.memory_space<hbm>> -> memref<1x128x64xf32, #tpu.memory_space<hbm>>
      %dma_wait3A_161 = tpu.memref_squeeze %dma_wait3A_160 : memref<1x128x64xf32, #tpu.memory_space<hbm>> -> memref<128x64xf32, #tpu.memory_space<hbm>>
      %dma_wait3A_162 = arith.constant 0 : i32
      %dma_wait3A_163 = arith.constant 0 : i32
      %dma_wait3A_164 = tpu.memref_slice %arg10[%dma_wait3A_162, %dma_wait3A_163] : memref<128x65xf32, #tpu.memory_space<vmem>> -> memref<128x64xf32, #tpu.memory_space<vmem>>
      %dma_wait3A_165 = arith.constant 0 : i32
      %dma_wait3A_166 = arith.constant 0 : i32
      %dma_wait3A_167 = tpu.memref_slice %arg3[%add3A_90, %dma_wait3A_165, %dma_wait3A_166] : memref<1024x128x128xf32, #tpu.memory_space<hbm>> -> memref<1x128x64xf32, #tpu.memory_space<hbm>>
      %dma_wait3A_168 = tpu.memref_squeeze %dma_wait3A_167 : memref<1x128x64xf32, #tpu.memory_space<hbm>> -> memref<128x64xf32, #tpu.memory_space<hbm>>
      tpu.wait_dma2 semaphore(%arg14 : memref<!tpu.dma_semaphore, #tpu.memory_space<semaphore_mem>>) src(%dma_wait3A_168 : memref<128x64xf32, #tpu.memory_space<hbm>>) dst(%dma_wait3A_164 : memref<128x64xf32, #tpu.memory_space<vmem>>)
      %dma_wait3A_169 = arith.constant 0 : i32
      %dma_wait3A_170 = arith.constant 0 : i32
      %dma_wait3A_171 = tpu.memref_slice %arg4[%add3A_90, %dma_wait3A_169, %dma_wait3A_170] : memref<1024x64x128xi32, #tpu.memory_space<hbm>> -> memref<1x64x128xi32, #tpu.memory_space<hbm>>
      %dma_wait3A_172 = tpu.memref_squeeze %dma_wait3A_171 : memref<1x64x128xi32, #tpu.memory_space<hbm>> -> memref<64x128xi32, #tpu.memory_space<hbm>>
      %dma_wait3A_173 = arith.constant 0 : i32
      %dma_wait3A_174 = arith.constant 0 : i32
      %dma_wait3A_175 = tpu.memref_slice %arg4[%add3A_90, %dma_wait3A_173, %dma_wait3A_174] : memref<1024x64x128xi32, #tpu.memory_space<hbm>> -> memref<1x64x128xi32, #tpu.memory_space<hbm>>
      %dma_wait3A_176 = tpu.memref_squeeze %dma_wait3A_175 : memref<1x64x128xi32, #tpu.memory_space<hbm>> -> memref<64x128xi32, #tpu.memory_space<hbm>>
      tpu.wait_dma2 semaphore(%arg14 : memref<!tpu.dma_semaphore, #tpu.memory_space<semaphore_mem>>) src(%dma_wait3A_176 : memref<64x128xi32, #tpu.memory_space<hbm>>) dst(%arg11 : memref<64x128xi32, #tpu.memory_space<vmem>>)
      %scan3A_177 = arith.constant 0 : i32
      %scan3A_178 = arith.constant 128 : i32
      %scan3A_179 = arith.addi %scan3A_177, %scan3A_178 : i32
      %scan3A_180 = arith.constant 1 : i32
      scf.for %scan3A_195 = %scan3A_177 to %scan3A_179 step %scan3A_180  : i32 {
        %mul3A_196 = arith.constant 1 : i32
        %mul3A_197 = arith.muli %scan3A_195, %mul3A_196 : i32
        %add3A_198 = arith.constant 0 : i32
        %add3A_199 = arith.addi %add3A_198, %mul3A_197 : i32
        %get3A = arith.index_cast %add3A_199 : i32 to index
        %get3A_200 = arith.constant 0 : index
        %get3A_201 = tpu.vector_load %arg9[%get3A, %get3A_200] {strides = array<i32>} : memref<128x65xf32, #tpu.memory_space<vmem>>, vector<16xf32>,
        %get3A_202 = arith.index_cast %add3A_199 : i32 to index
        %get3A_203 = arith.constant 0 : index
        %get3A_204 = tpu.vector_load %arg10[%get3A_202, %get3A_203] {strides = array<i32>} : memref<128x65xf32, #tpu.memory_space<vmem>>, vector<16xf32>,
        %sub3A = arith.subf %get3A_201, %get3A_204 : vector<16xf32>
        %swap3A_205 = arith.index_cast %add3A_199 : i32 to index
        %swap3A_206 = arith.constant 0 : index
        %swap3A_207 = tpu.vector_load %arg9[%swap3A_205, %swap3A_206] {strides = array<i32>} : memref<128x65xf32, #tpu.memory_space<vmem>>, vector<16xf32>,
        tpu.vector_store %arg9[%swap3A_205, %swap3A_206], %sub3A {strides = array<i32>} : memref<128x65xf32, #tpu.memory_space<vmem>>, vector<16xf32>,
        %get3A_208 = arith.index_cast %add3A_199 : i32 to index
        %get3A_209 = arith.constant 16 : index
        %get3A_210 = tpu.vector_load %arg9[%get3A_208, %get3A_209] {strides = array<i32>} : memref<128x65xf32, #tpu.memory_space<vmem>>, vector<16xf32>,
        %get3A_211 = arith.index_cast %add3A_199 : i32 to index
        %get3A_212 = arith.constant 16 : index
        %get3A_213 = tpu.vector_load %arg10[%get3A_211, %get3A_212] {strides = array<i32>} : memref<128x65xf32, #tpu.memory_space<vmem>>, vector<16xf32>,
        %sub3A_214 = arith.subf %get3A_210, %get3A_213 : vector<16xf32>
        %swap3A_215 = arith.index_cast %add3A_199 : i32 to index
        %swap3A_216 = arith.constant 16 : index
        %swap3A_217 = tpu.vector_load %arg9[%swap3A_215, %swap3A_216] {strides = array<i32>} : memref<128x65xf32, #tpu.memory_space<vmem>>, vector<16xf32>,
        tpu.vector_store %arg9[%swap3A_215, %swap3A_216], %sub3A_214 {strides = array<i32>} : memref<128x65xf32, #tpu.memory_space<vmem>>, vector<16xf32>,
        %get3A_218 = arith.index_cast %add3A_199 : i32 to index
        %get3A_219 = arith.constant 32 : index
        %get3A_220 = tpu.vector_load %arg9[%get3A_218, %get3A_219] {strides = array<i32>} : memref<128x65xf32, #tpu.memory_space<vmem>>, vector<16xf32>,
        %get3A_221 = arith.index_cast %add3A_199 : i32 to index
        %get3A_222 = arith.constant 32 : index
        %get3A_223 = tpu.vector_load %arg10[%get3A_221, %get3A_222] {strides = array<i32>} : memref<128x65xf32, #tpu.memory_space<vmem>>, vector<16xf32>,
        %sub3A_224 = arith.subf %get3A_220, %get3A_223 : vector<16xf32>
        %swap3A_225 = arith.index_cast %add3A_199 : i32 to index
        %swap3A_226 = arith.constant 32 : index
        %swap3A_227 = tpu.vector_load %arg9[%swap3A_225, %swap3A_226] {strides = array<i32>} : memref<128x65xf32, #tpu.memory_space<vmem>>, vector<16xf32>,
        tpu.vector_store %arg9[%swap3A_225, %swap3A_226], %sub3A_224 {strides = array<i32>} : memref<128x65xf32, #tpu.memory_space<vmem>>, vector<16xf32>,
        %get3A_228 = arith.index_cast %add3A_199 : i32 to index
        %get3A_229 = arith.constant 48 : index
        %get3A_230 = tpu.vector_load %arg9[%get3A_228, %get3A_229] {strides = array<i32>} : memref<128x65xf32, #tpu.memory_space<vmem>>, vector<16xf32>,
        %get3A_231 = arith.index_cast %add3A_199 : i32 to index
        %get3A_232 = arith.constant 48 : index
        %get3A_233 = tpu.vector_load %arg10[%get3A_231, %get3A_232] {strides = array<i32>} : memref<128x65xf32, #tpu.memory_space<vmem>>, vector<16xf32>,
        %sub3A_234 = arith.subf %get3A_230, %get3A_233 : vector<16xf32>
        %swap3A_235 = arith.index_cast %add3A_199 : i32 to index
        %swap3A_236 = arith.constant 48 : index
        %swap3A_237 = tpu.vector_load %arg9[%swap3A_235, %swap3A_236] {strides = array<i32>} : memref<128x65xf32, #tpu.memory_space<vmem>>, vector<16xf32>,
        tpu.vector_store %arg9[%swap3A_235, %swap3A_236], %sub3A_234 {strides = array<i32>} : memref<128x65xf32, #tpu.memory_space<vmem>>, vector<16xf32>,
      }
      %scan3A_181 = arith.constant 128 : i32
      %scan3A_182 = arith.constant 0 : i32
      %scan3A_183 = arith.constant 64 : i32
      %scan3A_184 = arith.addi %scan3A_182, %scan3A_183 : i32
      %scan3A_185 = arith.constant 1 : i32
      %scan3A_186 = scf.for %scan3A_195 = %scan3A_182 to %scan3A_184 step %scan3A_185 iter_args(%scan3A_196 = %scan3A_135) -> (vector<16xf32>)  : i32 {
        %broadcast_in_dim3A_197 = vector.broadcast %scan3A_195 : i32 to vector<16xi32>
        %get3A = arith.index_cast %scan3A_195 : i32 to index
        %get3A_198 = arith.constant 0 : index
        %get3A_199 = tpu.vector_load %arg11[%get3A, %get3A_198] {strides = array<i32>} : memref<64x128xi32, #tpu.memory_space<vmem>>, vector<16xi32>,
        %gather3A = tpu.vector_load_idx %arg9[%get3A_199, %broadcast_in_dim3A_197] : memref<128x65xf32, #tpu.memory_space<vmem>>[vector<16xi32>, vector<16xi32>], vector<16xf32>,
        %mul3A_200 = arith.mulf %gather3A, %gather3A : vector<16xf32>
        %add3A_201 = arith.addf %scan3A_196, %mul3A_200 : vector<16xf32>
        %get3A_202 = arith.index_cast %scan3A_195 : i32 to index
        %get3A_203 = arith.constant 16 : index
        %get3A_204 = tpu.vector_load %arg11[%get3A_202, %get3A_203] {strides = array<i32>} : memref<64x128xi32, #tpu.memory_space<vmem>>, vector<16xi32>,
        %gather3A_205 = tpu.vector_load_idx %arg9[%get3A_204, %broadcast_in_dim3A_197] : memref<128x65xf32, #tpu.memory_space<vmem>>[vector<16xi32>, vector<16xi32>], vector<16xf32>,
        %mul3A_206 = arith.mulf %gather3A_205, %gather3A_205 : vector<16xf32>
        %add3A_207 = arith.addf %add3A_201, %mul3A_206 : vector<16xf32>
        %get3A_208 = arith.index_cast %scan3A_195 : i32 to index
        %get3A_209 = arith.constant 32 : index
        %get3A_210 = tpu.vector_load %arg11[%get3A_208, %get3A_209] {strides = array<i32>} : memref<64x128xi32, #tpu.memory_space<vmem>>, vector<16xi32>,
        %gather3A_211 = tpu.vector_load_idx %arg9[%get3A_210, %broadcast_in_dim3A_197] : memref<128x65xf32, #tpu.memory_space<vmem>>[vector<16xi32>, vector<16xi32>], vector<16xf32>,
        %mul3A_212 = arith.mulf %gather3A_211, %gather3A_211 : vector<16xf32>
        %add3A_213 = arith.addf %add3A_207, %mul3A_212 : vector<16xf32>
        %get3A_214 = arith.index_cast %scan3A_195 : i32 to index
        %get3A_215 = arith.constant 48 : index
        %get3A_216 = tpu.vector_load %arg11[%get3A_214, %get3A_215] {strides = array<i32>} : memref<64x128xi32, #tpu.memory_space<vmem>>, vector<16xi32>,
        %gather3A_217 = tpu.vector_load_idx %arg9[%get3A_216, %broadcast_in_dim3A_197] : memref<128x65xf32, #tpu.memory_space<vmem>>[vector<16xi32>, vector<16xi32>], vector<16xf32>,
        %mul3A_218 = arith.mulf %gather3A_217, %gather3A_217 : vector<16xf32>
        %add3A_219 = arith.addf %add3A_213, %mul3A_218 : vector<16xf32>
        %get3A_220 = arith.index_cast %scan3A_195 : i32 to index
        %get3A_221 = arith.constant 64 : index
        %get3A_222 = tpu.vector_load %arg11[%get3A_220, %get3A_221] {strides = array<i32>} : memref<64x128xi32, #tpu.memory_space<vmem>>, vector<16xi32>,
        %gather3A_223 = tpu.vector_load_idx %arg9[%get3A_222, %broadcast_in_dim3A_197] : memref<128x65xf32, #tpu.memory_space<vmem>>[vector<16xi32>, vector<16xi32>], vector<16xf32>,
        %mul3A_224 = arith.mulf %gather3A_223, %gather3A_223 : vector<16xf32>
        %add3A_225 = arith.addf %add3A_219, %mul3A_224 : vector<16xf32>
        %get3A_226 = arith.index_cast %scan3A_195 : i32 to index
        %get3A_227 = arith.constant 80 : index
        %get3A_228 = tpu.vector_load %arg11[%get3A_226, %get3A_227] {strides = array<i32>} : memref<64x128xi32, #tpu.memory_space<vmem>>, vector<16xi32>,
        %gather3A_229 = tpu.vector_load_idx %arg9[%get3A_228, %broadcast_in_dim3A_197] : memref<128x65xf32, #tpu.memory_space<vmem>>[vector<16xi32>, vector<16xi32>], vector<16xf32>,
        %mul3A_230 = arith.mulf %gather3A_229, %gather3A_229 : vector<16xf32>
        %add3A_231 = arith.addf %add3A_225, %mul3A_230 : vector<16xf32>
        %get3A_232 = arith.index_cast %scan3A_195 : i32 to index
        %get3A_233 = arith.constant 96 : index
        %get3A_234 = tpu.vector_load %arg11[%get3A_232, %get3A_233] {strides = array<i32>} : memref<64x128xi32, #tpu.memory_space<vmem>>, vector<16xi32>,
        %gather3A_235 = tpu.vector_load_idx %arg9[%get3A_234, %broadcast_in_dim3A_197] : memref<128x65xf32, #tpu.memory_space<vmem>>[vector<16xi32>, vector<16xi32>], vector<16xf32>,
        %mul3A_236 = arith.mulf %gather3A_235, %gather3A_235 : vector<16xf32>
        %add3A_237 = arith.addf %add3A_231, %mul3A_236 : vector<16xf32>
        %get3A_238 = arith.index_cast %scan3A_195 : i32 to index
        %get3A_239 = arith.constant 112 : index
        %get3A_240 = tpu.vector_load %arg11[%get3A_238, %get3A_239] {strides = array<i32>} : memref<64x128xi32, #tpu.memory_space<vmem>>, vector<16xi32>,
        %gather3A_241 = tpu.vector_load_idx %arg9[%get3A_240, %broadcast_in_dim3A_197] : memref<128x65xf32, #tpu.memory_space<vmem>>[vector<16xi32>, vector<16xi32>], vector<16xf32>,
        %mul3A_242 = arith.mulf %gather3A_241, %gather3A_241 : vector<16xf32>
        %add3A_243 = arith.addf %add3A_237, %mul3A_242 : vector<16xf32>
        scf.yield %add3A_243 : vector<16xf32>
      }
      %scan3A_187 = arith.constant 64 : i32
      %add3A_188 = arith.constant 3 : i32
      %add3A_189 = arith.addi %mul3A_86, %add3A_188 : i32
      %lt3A_190 = arith.constant 32 : i32
      %lt3A_191 = arith.cmpi slt, %add3A_189, %lt3A_190 : i32
      %convert_element_type3A_192 = arith.extui %lt3A_191 : i1 to i32
      %cond3A_193 = arith.constant 0 : i32
      %cond3A_194 = arith.cmpi ne, %convert_element_type3A_192, %cond3A_193 : i32
      scf.if %cond3A_194 {
        %add3A_195 = arith.constant 2 : i32
        %add3A_196 = arith.addi %add3A_90, %add3A_195 : i32
        %dma_start3A_197 = arith.constant 0 : i32
        %dma_start3A_198 = arith.constant 0 : i32
        %dma_start3A_199 = tpu.memref_slice %arg9[%dma_start3A_197, %dma_start3A_198] : memref<128x65xf32, #tpu.memory_space<vmem>> -> memref<128x64xf32, #tpu.memory_space<vmem>>
        %dma_start3A_200 = arith.constant 0 : i32
        %dma_start3A_201 = arith.constant 0 : i32
        %dma_start3A_202 = tpu.memref_slice %arg2[%add3A_196, %dma_start3A_200, %dma_start3A_201] : memref<1024x128x128xf32, #tpu.memory_space<hbm>> -> memref<1x128x64xf32, #tpu.memory_space<hbm>>
        %dma_start3A_203 = tpu.memref_squeeze %dma_start3A_202 : memref<1x128x64xf32, #tpu.memory_space<hbm>> -> memref<128x64xf32, #tpu.memory_space<hbm>>
        %dma_start3A_204 = arith.constant 0 : i32
        %dma_start3A_205 = arith.constant 0 : i32
        %dma_start3A_206 = tpu.memref_slice %arg9[%dma_start3A_204, %dma_start3A_205] : memref<128x65xf32, #tpu.memory_space<vmem>> -> memref<128x64xf32, #tpu.memory_space<vmem>>
        %dma_start3A_207 = arith.constant 0 : i32
        %dma_start3A_208 = arith.constant 0 : i32
        %dma_start3A_209 = tpu.memref_slice %arg2[%add3A_196, %dma_start3A_207, %dma_start3A_208] : memref<1024x128x128xf32, #tpu.memory_space<hbm>> -> memref<1x128x64xf32, #tpu.memory_space<hbm>>
        %dma_start3A_210 = tpu.memref_squeeze %dma_start3A_209 : memref<1x128x64xf32, #tpu.memory_space<hbm>> -> memref<128x64xf32, #tpu.memory_space<hbm>>
        tpu.enqueue_dma source(%dma_start3A_210 : memref<128x64xf32, #tpu.memory_space<hbm>>) target(%dma_start3A_206 : memref<128x64xf32, #tpu.memory_space<vmem>>) target_semaphore(%arg14 : memref<!tpu.dma_semaphore, #tpu.memory_space<semaphore_mem>>)
        %dma_start3A_211 = arith.constant 0 : i32
        %dma_start3A_212 = arith.constant 0 : i32
        %dma_start3A_213 = tpu.memref_slice %arg10[%dma_start3A_211, %dma_start3A_212] : memref<128x65xf32, #tpu.memory_space<vmem>> -> memref<128x64xf32, #tpu.memory_space<vmem>>
        %dma_start3A_214 = arith.constant 0 : i32
        %dma_start3A_215 = arith.constant 0 : i32
        %dma_start3A_216 = tpu.memref_slice %arg3[%add3A_196, %dma_start3A_214, %dma_start3A_215] : memref<1024x128x128xf32, #tpu.memory_space<hbm>> -> memref<1x128x64xf32, #tpu.memory_space<hbm>>
        %dma_start3A_217 = tpu.memref_squeeze %dma_start3A_216 : memref<1x128x64xf32, #tpu.memory_space<hbm>> -> memref<128x64xf32, #tpu.memory_space<hbm>>
        %dma_start3A_218 = arith.constant 0 : i32
        %dma_start3A_219 = arith.constant 0 : i32
        %dma_start3A_220 = tpu.memref_slice %arg10[%dma_start3A_218, %dma_start3A_219] : memref<128x65xf32, #tpu.memory_space<vmem>> -> memref<128x64xf32, #tpu.memory_space<vmem>>
        %dma_start3A_221 = arith.constant 0 : i32
        %dma_start3A_222 = arith.constant 0 : i32
        %dma_start3A_223 = tpu.memref_slice %arg3[%add3A_196, %dma_start3A_221, %dma_start3A_222] : memref<1024x128x128xf32, #tpu.memory_space<hbm>> -> memref<1x128x64xf32, #tpu.memory_space<hbm>>
        %dma_start3A_224 = tpu.memref_squeeze %dma_start3A_223 : memref<1x128x64xf32, #tpu.memory_space<hbm>> -> memref<128x64xf32, #tpu.memory_space<hbm>>
        tpu.enqueue_dma source(%dma_start3A_224 : memref<128x64xf32, #tpu.memory_space<hbm>>) target(%dma_start3A_220 : memref<128x64xf32, #tpu.memory_space<vmem>>) target_semaphore(%arg14 : memref<!tpu.dma_semaphore, #tpu.memory_space<semaphore_mem>>)
        %dma_start3A_225 = arith.constant 0 : i32
        %dma_start3A_226 = arith.constant 0 : i32
        %dma_start3A_227 = tpu.memref_slice %arg4[%add3A_196, %dma_start3A_225, %dma_start3A_226] : memref<1024x64x128xi32, #tpu.memory_space<hbm>> -> memref<1x64x128xi32, #tpu.memory_space<hbm>>
        %dma_start3A_228 = tpu.memref_squeeze %dma_start3A_227 : memref<1x64x128xi32, #tpu.memory_space<hbm>> -> memref<64x128xi32, #tpu.memory_space<hbm>>
        %dma_start3A_229 = arith.constant 0 : i32
        %dma_start3A_230 = arith.constant 0 : i32
        %dma_start3A_231 = tpu.memref_slice %arg4[%add3A_196, %dma_start3A_229, %dma_start3A_230] : memref<1024x64x128xi32, #tpu.memory_space<hbm>> -> memref<1x64x128xi32, #tpu.memory_space<hbm>>
        %dma_start3A_232 = tpu.memref_squeeze %dma_start3A_231 : memref<1x64x128xi32, #tpu.memory_space<hbm>> -> memref<64x128xi32, #tpu.memory_space<hbm>>
        tpu.enqueue_dma source(%dma_start3A_232 : memref<64x128xi32, #tpu.memory_space<hbm>>) target(%arg11 : memref<64x128xi32, #tpu.memory_space<vmem>>) target_semaphore(%arg14 : memref<!tpu.dma_semaphore, #tpu.memory_space<semaphore_mem>>)
      } else {
      }
      scf.yield %scan3A_186 : vector<16xf32>
    }
    %scan3A_81 = arith.constant 16 : i32
    %swap3A = arith.constant 0 : index
    %swap3A_82 = tpu.vector_load %arg12[%swap3A] {strides = array<i32>} : memref<16xf32, #tpu.memory_space<vmem>>, vector<16xf32>,
    tpu.vector_store %arg12[%swap3A], %scan3A_80 {strides = array<i32>} : memref<16xf32, #tpu.memory_space<vmem>>, vector<16xf32>,
    "tpu.region"() ({
      %run_scoped3A = tpu.sem_alloc : memref<!tpu.dma_semaphore, #tpu.memory_space<semaphore_mem>>
      %dma_start3A_83 = arith.constant 0 : i32
      %dma_start3A_84 = tpu.memref_slice %arg5[%add3A, %dma_start3A_83] : memref<32x16xf32, #tpu.memory_space<hbm>> -> memref<1x16xf32, #tpu.memory_space<hbm>>
      %dma_start3A_85 = tpu.memref_squeeze %dma_start3A_84 : memref<1x16xf32, #tpu.memory_space<hbm>> -> memref<16xf32, #tpu.memory_space<hbm>>
      %dma_start3A_86 = arith.constant 0 : i32
      %dma_start3A_87 = tpu.memref_slice %arg5[%add3A, %dma_start3A_86] : memref<32x16xf32, #tpu.memory_space<hbm>> -> memref<1x16xf32, #tpu.memory_space<hbm>>
      %dma_start3A_88 = tpu.memref_squeeze %dma_start3A_87 : memref<1x16xf32, #tpu.memory_space<hbm>> -> memref<16xf32, #tpu.memory_space<hbm>>
      tpu.enqueue_dma source(%arg12 : memref<16xf32, #tpu.memory_space<vmem>>) target(%dma_start3A_88 : memref<16xf32, #tpu.memory_space<hbm>>) target_semaphore(%run_scoped3A : memref<!tpu.dma_semaphore, #tpu.memory_space<semaphore_mem>>)
      %dma_wait3A = arith.constant 0 : i32
      %dma_wait3A_89 = tpu.memref_slice %arg5[%add3A, %dma_wait3A] : memref<32x16xf32, #tpu.memory_space<hbm>> -> memref<1x16xf32, #tpu.memory_space<hbm>>
      %dma_wait3A_90 = tpu.memref_squeeze %dma_wait3A_89 : memref<1x16xf32, #tpu.memory_space<hbm>> -> memref<16xf32, #tpu.memory_space<hbm>>
      %dma_wait3A_91 = arith.constant 0 : i32
      %dma_wait3A_92 = tpu.memref_slice %arg5[%add3A, %dma_wait3A_91] : memref<32x16xf32, #tpu.memory_space<hbm>> -> memref<1x16xf32, #tpu.memory_space<hbm>>
      %dma_wait3A_93 = tpu.memref_squeeze %dma_wait3A_92 : memref<1x16xf32, #tpu.memory_space<hbm>> -> memref<16xf32, #tpu.memory_space<hbm>>
      tpu.wait_dma2 semaphore(%run_scoped3A : memref<!tpu.dma_semaphore, #tpu.memory_space<semaphore_mem>>) src(%arg12 : memref<16xf32, #tpu.memory_space<vmem>>) dst(%dma_wait3A_93 : memref<16xf32, #tpu.memory_space<hbm>>)
      tpu.yield
    }) : () -> ()
    return
  }
}

</mosaic_0001>

<sc_bundles>
// kernel: kernel.3.cloned.1.call-start
scs
__scs_entry_jumppad:
0x0: {  	(pc) =	sbr.rel $0x88, $3  }
0x1: {  	(tag) =	ssettag $0x0;
	lr =	simm.s32 $0x1  }
0x2: {  	[smem:$0x3F9E] =	sst lr;
	_ =	strace $0xD0000000  }
0x3: {  	_ = 	snop  }
0x4: {  	_ = 	snop  }
0x5: {  	_ = 	snop  }
0x6: {  	_ = 	snop  }
0x7: {  	_ = 	snop  }
__scs_overlays_trampoline_lowered:
0x8: {  	[smem:$0x3FAD] =	sst s0  }
0x9: {  	[smem:$0x3FAE] =	sst s1  }
0xa: {  	[smem:$0x3FAF] =	sst s2  }
0xb: {  	[smem:$0x3FB0] =	sst s3  }
0xc: {  	[smem:$0x3FB1] =	sst s4  }
0xd: {  	[smem:$0x3FB2] =	sst s5  }
0xe: {  	[smem:$0x3FB3] =	sst s6  }
0xf: {  	[smem:$0x3FB4] =	sst s7  }
0x10: {  	[smem:$0x3FB5] =	sst s8  }
0x11: {  	[smem:$0x3FB6] =	sst s9;
	s0 =	simm.s32 @!p0 $0x0  }
0x12: {  	s1 =	sld [smem:$0x3F9C];
	s0 =	simm.s32 @p0 $0x1  }
0x13: {  	[smem:$0x3FB7] =	sst s0;
	s0 =	simm.s32 @!p1 $0x0  }
0x14: {  	s2 =	sld [smem:$0x3F9B];
	s0 =	simm.s32 @p1 $0x1  }
0x15: {  	[smem:$0x3FB8] =	sst s0;
	s0 =	simm.s32 @!p2 $0x0  }
0x16: {  	s3 =	sld [smem:$0x3FDB];
	s0 =	simm.s32 @p2 $0x1  }
0x17: {  	s4 =	simm.s32 $0x1BF5;
	[smem:$0x3FBA] =	sst s0  }
0x18: {  	s0 =	sld [smem:$0x3F9D];
	_ =	swait.ge [sflag:s4], $0x0  }
0x19: {  	s7 =	sld [smem:$0x3F9E]  }
0x1a: {  	s8 =	sadd.s32 $0xFFFFE003, lr  }
0x1b: {  	s9 =	sadd.s32 $0xFFFFFEF7, lr;
	s5 =	simm.s32 $0xFFFFFFFF;
	p2 =	slt.u32 s8, $0xFFFFF086  }
0x1c: {  	p1 =	slt.u32 s9, $0xF7A;
	s5 =	simm.s32 @!p2 $0x0  }
0x1d: {  	s5 =	simm.s32 @p1 $0x1;
	p0 =	seq.s32 s7, s2  }
0x1e: {  	s7 =	smul.u32 @!p0 $0xF7A, s2;
	p2 =	seq.s32 @!p0 s5, $0x0  }
0x1f: {  	s9 =	smul.u32 $0xF7A, s1;
	s8 =	simm.s32 @!p0 $0x1BF5;
	p2 =	por !p2, p0  }
0x20: {  	[sflag:s8] =	ssyncset.s32 @!p0 $0xFFFFF086;
	s6 =	sadd.s32 @!p0 s3, s7;
	s7 =	simm.s32 @!p0 $0x108  }
0x21: {  	s3 =	sadd.s32 s3, s9;
	s6 =	sadd.s32 @!p0 $0x88, s6;
	s7 =	simm.s32 @p2 $0x1082  }
0x22: {  	[simem:s7], [sflag:s8] =	dma.local @!p0 [hbm:s6], $0xF7A  }
0x23: {  	s9 =	sor.u32 $0xD0000000, s2;
	s6 =	simm.s32 $0x108;
	_ =	swait.ge @!p0 [sflag:s8], $0x0  }
0x24: {  	s3 =	sadd.s32 $0x88, s3;
	s6 =	simm.s32 @!p1 $0x1082;
	[sflag:s4] =	ssyncset.s32 $0xFFFFF086  }
0x25: {  	[simem:s6], [sflag:s4] =	dma.local [hbm:s3], $0xF7A  }
0x26: {  	[smem:$0x3F9E] =	sst s1;
	(tag) =	ssettag s2;
	_ =	strace s9  }
0x27: {  	s1 =	sld [smem:$0x3FAE]  }
0x28: {  	s2 =	sld [smem:$0x3FAF]  }
0x29: {  	s4 =	sld [smem:$0x3FB1]  }
0x2a: {  	p0 =	seq.s32 s5, $0x0;
	s5 =	sld [smem:$0x3FB2]  }
0x2b: {  	s6 =	sld [smem:$0x3FB3]  }
0x2c: {  	s7 =	sld [smem:$0x3FB4]  }
0x2d: {  	s3 =	simm.s32 $0x108;
	s8 =	sld [smem:$0x3FB5]  }
0x2e: {  	s3 =	simm.s32 @!p0 $0x1082;
	s9 =	sld [smem:$0x3FB6]  }
0x2f: {  	lr =	sadd.s32 s0, s3;
	s0 =	sld [smem:$0x3FAD]  }
0x30: {  	s3 =	sld [smem:$0x3FB0]  }
0x31: {  	[smem:$0x3FB9] =	sst s10  }
0x32: {  	s10 =	sld [smem:$0x3FB7];
	_ =	sdelay $0x3  }
0x33: {  	p0 =	seq.s32 s10, $0x1;
	s10 =	sld [smem:$0x3FB9];
	_ =	sdelay $0x3  }
0x34: {  	[smem:$0x3FB9] =	sst s10  }
0x35: {  	s10 =	sld [smem:$0x3FB8];
	_ =	sdelay $0x3  }
0x36: {  	p1 =	seq.s32 s10, $0x1;
	s10 =	sld [smem:$0x3FB9];
	_ =	sdelay $0x3  }
0x37: {  	[smem:$0x3FB9] =	sst s10  }
0x38: {  	s10 =	sld [smem:$0x3FBA]  }
0x39: {  	_ = 	snop;
	(pc) =	sbr.ind lr, $3  }
0x3a: {  	_ = 	snop  }
0x3b: {  	_ = 	snop  }
0x3c: {  	p2 =	seq.s32 s10, $0x1;
	s10 =	sld [smem:$0x3FB9]  }
0x3d: {  	_ =	shalt  }
0x3e: {  	_ =	shalt  }
0x3f: {  	_ =	shalt  }
0x40: {  	_ =	shalt  }
0x41: {  	_ =	shalt  }
0x42: {  	_ =	shalt  }
0x43: {  	_ =	shalt  }
0x44: {  	_ =	shalt  }
0x45: {  	_ =	shalt  }
0x46: {  	_ =	shalt  }
0x47: {  	_ =	shalt  }
0x48: {  	_ =	shalt  }
0x49: {  	_ =	shalt  }
0x4a: {  	_ =	shalt  }
0x4b: {  	_ =	shalt  }
0x4c: {  	_ =	shalt  }
0x4d: {  	_ =	shalt  }
0x4e: {  	_ =	shalt  }
0x4f: {  	_ =	shalt  }
0x50: {  	_ =	shalt  }
0x51: {  	_ =	shalt  }
0x52: {  	_ =	shalt  }
0x53: {  	_ =	shalt  }
0x54: {  	_ =	shalt  }
0x55: {  	_ =	shalt  }
0x56: {  	_ =	shalt  }
0x57: {  	_ =	shalt  }
0x58: {  	_ =	shalt  }
0x59: {  	_ =	shalt  }
0x5a: {  	_ =	shalt  }
0x5b: {  	_ =	shalt  }
0x5c: {  	_ =	shalt  }
0x5d: {  	_ =	shalt  }
0x5e: {  	_ =	shalt  }
0x5f: {  	_ =	shalt  }
0x60: {  	_ =	shalt  }
0x61: {  	_ =	shalt  }
0x62: {  	_ =	shalt  }
0x63: {  	_ =	shalt  }
0x64: {  	_ =	shalt  }
0x65: {  	_ =	shalt  }
0x66: {  	_ =	shalt  }
0x67: {  	_ =	shalt  }
0x68: {  	_ =	shalt  }
0x69: {  	_ =	shalt  }
0x6a: {  	_ =	shalt  }
0x6b: {  	_ =	shalt  }
0x6c: {  	_ =	shalt  }
0x6d: {  	_ =	shalt  }
0x6e: {  	_ =	shalt  }
0x6f: {  	_ =	shalt  }
0x70: {  	_ =	shalt  }
0x71: {  	_ =	shalt  }
0x72: {  	_ =	shalt  }
0x73: {  	_ =	shalt  }
0x74: {  	_ =	shalt  }
0x75: {  	_ =	shalt  }
0x76: {  	_ =	shalt  }
0x77: {  	_ =	shalt  }
0x78: {  	_ =	shalt  }
0x79: {  	_ =	shalt  }
0x7a: {  	_ =	shalt  }
0x7b: {  	_ =	shalt  }
0x7c: {  	_ =	shalt  }
0x7d: {  	_ =	shalt  }
0x7e: {  	_ =	shalt  }
0x7f: {  	_ =	shalt  }
0x80: {  	_ =	shalt  }
0x81: {  	_ =	shalt  }
0x82: {  	_ =	shalt  }
0x83: {  	_ =	shalt  }
0x84: {  	_ =	shalt  }
0x85: {  	_ =	shalt  }
0x86: {  	_ =	shalt  }
0x87: {  	_ =	shalt  }
.Lfunc_end0:
.L_simem_size_0:
called_computation_lowered:
.L_overlay_start_0:
0x88: {  	s2 =	sld [smem:$0x3FD9]  }
0x89: {  	s3 =	sld [smem:$0x3FFE];
	_ =	sdelay $0x1  }
0x8a: {  	s1 =	srdreg.scid  }
0x8b: {  	s0 =	sand.u32 $0x1, s1  }
0x8c: {  	s17 =	sshll.u32 s0, $0xA;
	s2 =	sadd.s32 s3, s2  }
0x8d: {  	s2 =	sadd.s32 s2, s17  }
0x8e: {  	[smem:$0x3FC5] =	sst s2  }
0x8f: {  	_ = 	snop  }
0x90: {  	s2 =	sld [smem:$0x3FC9]  }
0x91: {  	s18 =	sld [smem:$0x3FC8]  }
0x92: {  	s4 =	sld [smem:$0x3FC7];
	(tm) =	ssettm $0x1  }
0x93: {  	s5 =	sld [smem:$0x3FFB];
	_ =	sdelay $0x3  }
0x94: {  	_ =	strace s5  }
0x95: {  	s5 =	sld [smem:$0x3FFC];
	_ =	sdelay $0x3  }
0x96: {  	_ =	strace s5  }
0x97: {  	s5 =	sld [smem:$0x3FFD];
	_ =	sdelay $0x3  }
0x98: {  	_ =	strace s5  }
0x99: {  	_ =	strace $0x8FFFFFFF  }
0x9a: {  	s19 =	sld [smem:$0x3FDB];
	_ =	sdelay $0x1  }
0x9b: {  	s6 =	simm.s32 $_scs_section_size  }
0x9c: {  	s7 =	simm.s32 $_size__tile_overlayer_lowered;
	s8 =	simm.s32 $_tile_overlayer_lowered  }
0x9d: {  	s22 =	simm.s32 $0x1BFF;
	s21 =	sshll.u32 s8, $0x1;
	s5 =	sadd.s32 s6, s19  }
0x9e: {  	s9 =	simm.s32 $0x0;
	s20 =	sshll.u32 s7, $0x1;
	s7 =	sadd.s32 s21, s5  }
0x9f: {  	[timem:s9], [sflag:s22] =	dma.local [hbm:s7], s20  }
0xa0: {  	_ =	swait.ge [sflag:s22], s20  }
0xa1: {  	s6 =	ssub.s32 $0x0, s20;
	[sflag:s22] =	ssyncset.done $0x0  }
0xa2: {  	[sflag:s22] =	ssyncadd.s32 s6;
	_ =	sdelay $0x1  }
0xa3: {  	s23 =	simm.s32 $0x1B8B  }
0xa4: {  	_ =	swait.ge [sflag:s23], $0x1  }
0xa5: {  	[sflag:s23] =	ssyncset.done $0x0  }
0xa6: {  	s25 =	simm.s32 $0x1B8E;
	s24 =	sld [smem:$0x3FFE];
	[sflag:s23] =	ssyncadd.s32 $0xFFFFFFFF  }
0xa7: {  	s26 =	simm.s32 $execute0_lowered;
	[smem:$0x3FD2] =	sst s25  }
0xa8: {  	s7 =	sshll.u32 s26, $0x1;
	_ =	strace $0x80000046;
	[dreg:$0x1] =	wrdreg $0xFFFFFFFF  }
0xa9: {  	s28 =	simm.s32 $_size_execute0_lowered;
	s5 =	sadd.s32 s5, s7;
	[dreg:$0x0] =	wrdreg $0x0  }
0xaa: {  	s7 =	sshll.u32 s28, $0x1;
	[dreg:$0x2] =	wrdreg s5  }
0xab: {  	[dreg:$0x3] =	wrdreg s7  }
0xac: {  	[dreg:$0x4] =	wrdreg $0xC0  }
0xad: {  	_ =	task [dreg:s9], $0x5FFFF  }
0xae: {  	[dreg:$0x1] =	wrdreg $0xFFFFFFFF  }
0xaf: {  	[dreg:$0x0] =	wrdreg $0x60  }
0xb0: {  	[dreg:$0x2] =	wrdreg s2  }
0xb1: {  	[dreg:$0x3] =	wrdreg s18  }
0xb2: {  	[dreg:$0x4] =	wrdreg s4  }
0xb3: {  	[dreg:$0x5] =	wrdreg s24  }
0xb4: {  	[dreg:$0x6] =	wrdreg $0x9  }
0xb5: {  	_ =	task.clear_ibuf [dreg:s9], $0x7FFFF;
	_ =	strace $0x90000046  }
0xb6: {  	s29 =	simm.s32 $0x9;
	_ =	strace $0x80000048  }
0xb7: {  	_ =	swait.ge [sflag:s29], $0x1  }
0xb8: {  	[sflag:s29] =	ssyncadd.s32 $0xFFFFFFFF  }
0xb9: {  	_ =	strace $0x90000048  }
0xba: {  	_ =	sfence  }
0xbb: {  	s30 =	sld [smem:$0x0];
	_ =	sdelay $0x2  }
0xbc: {  	s31 =	sshll.u32 s1, $0xD;
	s1 =	sshrl.u32 s1, $0x2  }
0xbd: {  	s3 =	sand.u32 $0x4000, s31;
	s1 =	sadd.s32 s1, s30  }
0xbe: {  	s0 =	sor.u32 s3, s0;
	s1 =	sshll.u32 s1, $0x11  }
0xbf: {  	s0 =	sor.u32 s1, s0  }
0xc0: {  	s0 =	sadd.s32 $0x8F2B, s0  }
0xc1: {  	[sflag:s0] =	ssyncadd.remote.s32 $0x1  }
0xc2: {  	_ =	sfence.sel $0xFFFF  }
0xc3: {  	[dreg:$0x0] =	wrdreg $0xFFFFFFFF;
	(pc) =	sbr.abs _section_cstart, $3  }
0xc4: {  	[dreg:$0x1] =	wrdreg $0xFFFFFFFF  }
0xc5: {  	_ =	task.clear_ibuf [dreg:s9], $0x2FFFF;
	_ =	strace $0x9FFFFFFF  }
0xc6: {  	(tm) =	ssettm $0x7FFFFFFF  }
0xc7: {  	_ =	shalt  }
tec
execute0_lowered:
.L_overlay_start_1:
0x0: {  	(tag) =	ssettag $0x1  }
0x1: {  	s1 =	rddreg [dreg:$0x0]  }
0x2: {  	s2 =	rddreg [dreg:$0x1]  }
0x3: {  	s3 =	rddreg [dreg:$0x2]  }
0x4: {  	s0 =	rddreg [dreg:$0x3];
	s6 =	srdreg.scid;
	s5 =	simm.s32 $0x0  }
0x5: {  	s4 =	stileid.u32;
	s16 =	simm.s32 $0xB000;
	s17 =	simm.s32 $0x1  }
0x6: {  	s18 =	simm.s32 $0x2;
	s19 =	simm.s32 $0x6800;
	s20 =	simm.s32 $0xD000  }
0x7: {  	s21 =	simm.s32 $0x3;
	s22 =	simm.s32 $0x0;
	s6 =	sand.u32 $0x1, s6  }
0x8: {  	[smem:$0x7FF] =	sst s5;
	s8 =	sshll.u32 s4, $0x1;
	s7 =	ssub.s32 $0x2, s6  }
0x9: {  	_ =	strace $0x80000047;
	s11 =	sor.u32 s6, s8;
	s9 =	sshrl.u32 s7, $0x1  }
0xa: {  	s6 =	sshll.u32 s11, $0x5;
	s8 =	sshll.u32 s11, $0x10;
	s31 =	sshll.u32 s11, $0xF  }
.Ltmp0:
0xb: {  	s15 =	sshll.u32 s11, $0x1;
	s14 =	ssub.s32 s7, s9;
	(pc) =	sbr.rel .LBB2_1-.Ltmp0, $4  }
0xc: {  	s7 =	sadd.s32 s1, s8;
	s12 =	sor.u32 $0x1, s6;
	s8 =	sadd.s32 s2, s8  }
0xd: {  	s9 =	sadd.s32 s3, s31;
	s13 =	sshll.u32 s12, $0xB;
	s12 =	sshll.u32 s12, $0xA  }
0xe: {  	s14 =	smax.u32 s14, $0x1;
	s10 =	sadd.s32 s1, s13;
	s11 =	sadd.s32 s2, s13  }
0xf: {  	s12 =	sadd.s32 s3, s12;
	s13 =	sadd.s32 s0, s15;
	s15 =	simm.s32 $0x4800  }
.LBB2_30:
0x10: {  	s22 =	sadd.s32 $0x1, s22  }
0x11: {  	p0 =	sne.s32 s22, s14  }
.Ltmp1:
0x12: {  	[tilespmem:$0xD000] =	vst v0;
	(pc) =	sbr.rel @!p0 .LBB2_31-.Ltmp1, $4  }
0x13: {  	[hbm4b:s13+s5] =	stream.linear.scatter [tilespmem:s20], [sflag:$0x3], $0x10, $0x38;
	[tilespmem:$0xD010] =	vst v63  }
0x14: {  	_ =	swait.ge [sflag:s21], $0x10  }
0x15: {  	[sflag:s21] =	ssyncset.done $0x0  }
0x16: {  	[sflag:s21] =	ssyncadd.s32 $0xFFFFFFF0  }
.LBB2_1:
0x17: {  	s23 =	simm.s32 $0x10  }
0x18: {  	s26 =	sadd.s32 $0x0, s7;
	s24 =	simm.s32 $0x48;
	s25 =	simm.s32 $0x0  }
.LBB2_2:
0x19: {  	[tilespmem:s25], [sflag:$0x1] =	stream.linear.gather [hbm4b:s26+s5], $0x40, $0x38;
	[tilespmem:$0xD010] =	vst v63  }
0x1a: {  	s0 =	smov.u32 s23;
	s25 =	smov.u32 s24;
	p0 =	sne.s32 s23, $0x7F0  }
.Ltmp2:
0x1b: {  	s23 =	sadd.s32 $0x10, s23;
	(pc) =	sbr.rel @p0 .LBB2_2-.Ltmp2, $2  }
0x1c: {  	_ =	sdelay $0x2  }
0x1d: {  	s24 =	sadd.s32 $0x48, s24;
	s26 =	sadd.s32 s0, s7  }
0x1e: {  	[tilespmem:s25], [sflag:$0x1] =	stream.linear.gather [hbm4b:s26+s5], $0x40, $0x38;
	[tilespmem:$0xD010] =	vst v63  }
0x1f: {  	s23 =	simm.s32 $0x2400  }
0x20: {  	s24 =	simm.s32 $0x10;
	s26 =	sadd.s32 $0x0, s8;
	s25 =	simm.s32 $0x2448  }
.LBB2_4:
0x21: {  	[tilespmem:s23], [sflag:$0x1] =	stream.linear.gather [hbm4b:s26+s5], $0x40, $0x38;
	[tilespmem:$0xD010] =	vst v63  }
0x22: {  	s0 =	smov.u32 s24;
	s23 =	smov.u32 s25;
	p0 =	sne.s32 s24, $0x7F0  }
.Ltmp3:
0x23: {  	s24 =	sadd.s32 $0x10, s24;
	(pc) =	sbr.rel @p0 .LBB2_4-.Ltmp3, $2  }
0x24: {  	_ =	sdelay $0x2  }
0x25: {  	s25 =	sadd.s32 $0x48, s25;
	s26 =	sadd.s32 s0, s8  }
0x26: {  	[tilespmem:s23], [sflag:$0x1] =	stream.linear.gather [hbm4b:s26+s5], $0x40, $0x38;
	[tilespmem:$0xD010] =	vst v63  }
0x27: {  	s0 =	simm.s32 $0x0;
	s23 =	simm.s32 $0x6800  }
0x28: {  	s24 =	simm.s32 $0x10;
	s26 =	sadd.s32 $0x0, s10;
	s25 =	simm.s32 $0x6848  }
0x29: {  	[tilespmem:s15], [sflag:$0x1] =	stream.linear.gather [hbm4b:s9+s0], $0x2000, $0x38;
	[tilespmem:$0xD010] =	vst v63  }
.LBB2_6:
0x2a: {  	[tilespmem:s23], [sflag:$0x2] =	stream.linear.gather [hbm4b:s26+s5], $0x40, $0x38;
	[tilespmem:$0xD010] =	vst v63  }
0x2b: {  	s0 =	smov.u32 s24;
	s23 =	smov.u32 s25;
	p0 =	sne.s32 s24, $0x7F0  }
.Ltmp4:
0x2c: {  	s24 =	sadd.s32 $0x10, s24;
	(pc) =	sbr.rel @p0 .LBB2_6-.Ltmp4, $2  }
0x2d: {  	_ =	sdelay $0x2  }
0x2e: {  	s25 =	sadd.s32 $0x48, s25;
	s26 =	sadd.s32 s0, s10  }
0x2f: {  	[tilespmem:s23], [sflag:$0x2] =	stream.linear.gather [hbm4b:s26+s5], $0x40, $0x38;
	[tilespmem:$0xD010] =	vst v63  }
0x30: {  	s23 =	simm.s32 $0x8C00  }
0x31: {  	s24 =	simm.s32 $0x10;
	s26 =	sadd.s32 $0x0, s11;
	s25 =	simm.s32 $0x8C48  }
.LBB2_8:
0x32: {  	[tilespmem:s23], [sflag:$0x2] =	stream.linear.gather [hbm4b:s26+s5], $0x40, $0x38;
	[tilespmem:$0xD010] =	vst v63  }
0x33: {  	s0 =	smov.u32 s24;
	s23 =	smov.u32 s25;
	p0 =	sne.s32 s24, $0x7F0  }
.Ltmp5:
0x34: {  	s24 =	sadd.s32 $0x10, s24;
	(pc) =	sbr.rel @p0 .LBB2_8-.Ltmp5, $2  }
0x35: {  	_ =	sdelay $0x2  }
0x36: {  	s25 =	sadd.s32 $0x48, s25;
	s26 =	sadd.s32 s0, s11  }
0x37: {  	[tilespmem:s23], [sflag:$0x2] =	stream.linear.gather [hbm4b:s26+s5], $0x40, $0x38;
	[tilespmem:$0xD010] =	vst v63  }
0x38: {  	s23 =	simm.s32 $0x0  }
0x39: {  	v0 =	vimm.f32 $0.0e+00;
	[tilespmem:s16], [sflag:$0x2] =	stream.linear.gather [hbm4b:s12+s23], $0x2000, $0x38;
	[tilespmem:$0xD010] =	vst v63  }
.LBB2_10:
0x3a: {  	_ =	swait.ge [sflag:s17], $0x2000  }
0x3b: {  	[sflag:s17] =	ssyncset.done $0x0  }
0x3c: {  	[sflag:s17] =	ssyncadd.s32 $0xFFFFE000  }
0x3d: {  	_ =	swait.ge [sflag:s17], $0x2000  }
0x3e: {  	[sflag:s17] =	ssyncset.done $0x0  }
0x3f: {  	[sflag:s17] =	ssyncadd.s32 $0xFFFFE000  }
0x40: {  	_ =	swait.ge [sflag:s17], $0x2000  }
0x41: {  	[sflag:s17] =	ssyncset.done $0x0  }
0x42: {  	s24 =	simm.s32 $0x0;
	[sflag:s17] =	ssyncadd.s32 $0xFFFFE000  }
0x43: {  	v6 =	vld [tilespmem:s24+$0x2400]  }
0x44: {  	v7 =	vld [tilespmem:s24+$0x2410]  }
0x45: {  	v2 =	vld [tilespmem:s24+$0x2420]  }
0x46: {  	v1 =	vld [tilespmem:s24+$0x2430]  }
0x47: {  	v3 =	vld [tilespmem:s24+$0x0]  }
0x48: {  	v5 =	vld [tilespmem:s24+$0x10]  }
0x49: {  	s25 =	simm.s32 $0x120;
	v4 =	vld [tilespmem:s24+$0x20]  }
.LBB2_11:
0x4a: {  	s0 =	sshra.s32 s25, $0x2;
	p0 =	sne.s32 s25, $0x8EE0;
	v8 =	vld [tilespmem:s24+$0x30];
	v9 =	vmov v2  }
0x4b: {  	v10 =	vld [tilespmem:s0+$0x2400];
	v11 =	vmov v1  }
0x4c: {  	v12 =	vld [tilespmem:s0+$0x2410];
	v3 =	vsub.f32 v3, v6  }
.Ltmp6:
0x4d: {  	v2 =	vld [tilespmem:s0+$0x2420];
	v5 =	vsub.f32 v5, v7;
	(pc) =	sbr.rel @p0 .LBB2_11-.Ltmp6, $4  }
0x4e: {  	v1 =	vld [tilespmem:s0+$0x2430];
	[tilespmem:s24+$0x0] =	vst v3;
	v4 =	vsub.f32 v4, v9  }
0x4f: {  	v3 =	vld [tilespmem:s0+$0x0];
	[tilespmem:s24+$0x10] =	vst v5;
	v8 =	vsub.f32 v8, v11  }
0x50: {  	v5 =	vld [tilespmem:s0+$0x10];
	[tilespmem:s24+$0x20] =	vst v4;
	v6 =	vmov v10  }
0x51: {  	s25 =	sadd.s32 $0x120, s25;
	v4 =	vld [tilespmem:s0+$0x20];
	[tilespmem:s24+$0x30] =	vst v8;
	v7 =	vmov v12;
	s24 =	smov.u32 s0  }
0x52: {  	v8 =	vld [tilespmem:s24+$0x30];
	_ =	sdelay $0x1  }
0x53: {  	v3 =	vsub.f32 v3, v6  }
0x54: {  	v5 =	vsub.f32 v5, v7  }
0x55: {  	[tilespmem:s24+$0x0] =	vst v3;
	v2 =	vsub.f32 v4, v2  }
0x56: {  	[tilespmem:s24+$0x10] =	vst v5;
	v1 =	vsub.f32 v8, v1  }
0x57: {  	[tilespmem:s24+$0x20] =	vst v2  }
0x58: {  	s0 =	simm.s32 $0x4840;
	[tilespmem:s24+$0x30] =	vst v1  }
0x59: {  	v1 =	vld [tilespmem:s0+$0xFFFFFFC0];
	_ =	sdelay $0x1  }
0x5a: {  	v2 =	vld [tilespmem:s0+$0xFFFFFFD0]  }
0x5b: {  	v3 =	vld [tilespmem:s0+$0xFFFFFFE0]  }
0x5c: {  	s29 =	simm.s32 $0x0  }
0x5d: {  	v4 =	vmov s29;
	v1 =	vmul.u32 $0x48, v1  }
0x5e: {  	v6 =	vand.u32 $0x38, v4;
	v5 =	vld [tilespmem:s0+$0xFFFFFFF0]  }
0x5f: {  	v4 =	vand.u32 $0x7, v4;
	v2 =	vmul.u32 $0x48, v2;
	v1 =	vadd.s32 v6, v1  }
0x60: {  	v7 =	vld [tilespmem:s0+$0x0];
	v3 =	vmul.u32 $0x48, v3;
	v1 =	vor.u32 v4, v1  }
0x61: {  	v8 =	vld [tilespmem:s0+$0x10];
	v2 =	vadd.s32 v6, v2  }
0x62: {  	v9 =	vld [tilespmem:s0+$0x20];
	v3 =	vadd.s32 v6, v3;
	v2 =	vor.u32 v4, v2  }
0x63: {  	s30 =	simm.s32 $0x48C0;
	v10 =	vld [tilespmem:s0+$0x30];
	v5 =	vmul.u32 $0x48, v5;
	v3 =	vor.u32 v4, v3  }
0x64: {  	v11 =	vld [tilespmem:s30+$0xFFFFFFC0]  }
0x65: {  	v7 =	vmul.u32 $0x48, v7;
	v5 =	vadd.s32 v6, v5;
	v1 =	vld.idx.msk [tilespmem:v1+s5+$0x0], $0xffff  }
0x66: {  	v12 =	vld [tilespmem:s30+$0xFFFFFFD0];
	v8 =	vmul.u32 $0x48, v8;
	v5 =	vor.u32 v4, v5  }
0x67: {  	v9 =	vmul.u32 $0x48, v9;
	v7 =	vadd.s32 v6, v7;
	v2 =	vld.idx.msk [tilespmem:v2+s5+$0x0], $0xffff  }
0x68: {  	v8 =	vadd.s32 v6, v8;
	v7 =	vor.u32 v4, v7;
	v3 =	vld.idx.msk [tilespmem:v3+s5+$0x0], $0xffff  }
0x69: {  	s31 =	simm.s32 $0x1;
	v14 =	vld [tilespmem:s30+$0xFFFFFFE0];
	v10 =	vmul.u32 $0x48, v10;
	v9 =	vadd.s32 v6, v9;
	v8 =	vor.u32 v4, v8  }
0x6a: {  	v13 =	vmov s31;
	v16 =	vld [tilespmem:s30+$0xFFFFFFF0];
	v9 =	vor.u32 v4, v9;
	v15 =	vmul.f32 v1, v1  }
0x6b: {  	v11 =	vmul.u32 $0x48, v11;
	v6 =	vadd.s32 v6, v10;
	v10 =	vmul.u32 $0x48, v12;
	v5 =	vld.idx.msk [tilespmem:v5+s5+$0x0], $0xffff  }
0x6c: {  	v12 =	vld [tilespmem:s30+$0x0];
	v4 =	vor.u32 v4, v6;
	v2 =	vmul.f32 v2, v2;
	v15 =	vadd.f32 v15, v0  }
0x6d: {  	v7 =	vld.idx.msk [tilespmem:v7+s5+$0x0], $0xffff;
	v1 =	vand.u32 $0x7, v13;
	v3 =	vmul.f32 v3, v3;
	v0 =	vand.u32 $0x38, v13  }
0x6e: {  	v8 =	vld.idx.msk [tilespmem:v8+s5+$0x0], $0xffff;
	v6 =	vadd.s32 v0, v11;
	v10 =	vadd.s32 v0, v10;
	v2 =	vadd.f32 v2, v15  }
0x6f: {  	v9 =	vld.idx.msk [tilespmem:v9+s5+$0x0], $0xffff;
	v6 =	vor.u32 v1, v6;
	v13 =	vor.u32 v1, v10  }
0x70: {  	v11 =	vld [tilespmem:s30+$0x10];
	v2 =	vadd.f32 v3, v2;
	v3 =	vmul.f32 v5, v5;
	v5 =	vmul.u32 $0x48, v14  }
0x71: {  	v15 =	vld [tilespmem:s30+$0x20];
	v10 =	vmul.u32 $0x48, v16  }
0x72: {  	v2 =	vadd.f32 v3, v2;
	v3 =	vmul.f32 v7, v7;
	v7 =	vld.idx.msk [tilespmem:v4+s5+$0x0], $0xffff;
	v5 =	vadd.s32 v0, v5  }
0x73: {  	v12 =	vmul.u32 $0x48, v12;
	v14 =	vadd.s32 v0, v10;
	v4 =	vld [tilespmem:s30+$0x30];
	v10 =	vor.u32 v1, v5  }
0x74: {  	v63 =	vmul.f32 v8, v8;
	v6 =	vld.idx.msk [tilespmem:v6+s5+$0x0], $0xffff;
	v2 =	vadd.f32 v3, v2  }
0x75: {  	s24 =	simm.s32 $0x4940;
	v12 =	vadd.s32 v0, v12;
	v8 =	vor.u32 v1, v14;
	v5 =	vld.idx.msk [tilespmem:v13+s5+$0x0], $0xffff  }
0x76: {  	v14 =	vmul.f32 v9, v9;
	v11 =	vmul.u32 $0x48, v11;
	v3 =	vld [tilespmem:s24+$0xFFFFFFC0];
	v13 =	vadd.f32 v63, v2  }
0x77: {  	s25 =	simm.s32 $0x2;
	s26 =	simm.s32 $0x3;
	v9 =	vor.u32 v1, v12;
	v12 =	vmul.u32 $0x48, v15;
	v2 =	vld [tilespmem:s24+$0xFFFFFFD0]  }
.LBB2_13:
0x78: {  	p0 =	sne.s32 s26, $0x3F;
	v10 =	vld.idx.msk [tilespmem:v10+s5+$0x0], $0xffff;
	v11 =	vadd.s32 v0, v11;
	v13 =	vadd.f32 v14, v13;
	v7 =	vmul.f32 v7, v7  }
0x79: {  	v14 =	vmov s25;
	v4 =	vmul.u32 $0x48, v4;
	s25 =	smov.u32 s26;
	v15 =	vld [tilespmem:s24+$0xFFFFFFE0];
	v11 =	vor.u32 v1, v11  }
0x7a: {  	v6 =	vmul.f32 v6, v6;
	v12 =	vadd.s32 v0, v12;
	v8 =	vld.idx.msk [tilespmem:v8+s5+$0x0], $0xffff;
	v7 =	vadd.f32 v7, v13  }
0x7b: {  	v13 =	vand.u32 $0x7, v14;
	v3 =	vmul.u32 $0x48, v3;
	v12 =	vor.u32 v1, v12;
	v16 =	vld [tilespmem:s24+$0xFFFFFFF0]  }
0x7c: {  	v4 =	vadd.s32 v0, v4;
	v5 =	vmul.f32 v5, v5;
	v6 =	vadd.f32 v6, v7;
	v7 =	vld.idx.msk [tilespmem:v9+s5+$0x0], $0xffff  }
0x7d: {  	v0 =	vand.u32 $0x38, v14;
	v4 =	vor.u32 v1, v4;
	v1 =	vmovc v13;
	v2 =	vmul.u32 $0x48, v2;
	v9 =	vld [tilespmem:s24+$0x0]  }
0x7e: {  	v3 =	vadd.s32 v0, v3;
	v5 =	vadd.f32 v5, v6;
	v6 =	vmul.f32 v10, v10;
	v11 =	vld.idx.msk [tilespmem:v11+s5+$0x0], $0xffff  }
0x7f: {  	v3 =	vor.u32 v1, v3;
	v10 =	vmul.u32 $0x48, v15;
	v13 =	vld [tilespmem:s24+$0x10]  }
0x80: {  	v2 =	vadd.s32 v0, v2;
	v5 =	vadd.f32 v6, v5;
	v6 =	vmul.f32 v8, v8;
	v12 =	vld.idx.msk [tilespmem:v12+s5+$0x0], $0xffff  }
0x81: {  	v2 =	vor.u32 v1, v2;
	v8 =	vmul.u32 $0x48, v16;
	v15 =	vld [tilespmem:s24+$0x20]  }
0x82: {  	v10 =	vadd.s32 v0, v10;
	v14 =	vmul.f32 v7, v7;
	v5 =	vadd.f32 v6, v5;
	v7 =	vld.idx.msk [tilespmem:v4+s5+$0x0], $0xffff  }
.Ltmp7:
0x83: {  	v10 =	vor.u32 v1, v10;
	v9 =	vmul.u32 $0x48, v9;
	v4 =	vld [tilespmem:s24+$0x30];
	(pc) =	sbr.rel @p0 .LBB2_13-.Ltmp7, $4  }
0x84: {  	v8 =	vadd.s32 v0, v8;
	s24 =	sadd.s32 $0x80, s24;
	v16 =	vmul.f32 v11, v11;
	v6 =	vld.idx.msk [tilespmem:v3+s5+$0x0], $0xffff;
	v14 =	vadd.f32 v14, v5  }
0x85: {  	v8 =	vor.u32 v1, v8;
	v11 =	vmul.u32 $0x48, v13;
	v3 =	vld [tilespmem:s24+$0xFFFFFFC0]  }
0x86: {  	v9 =	vadd.s32 v0, v9;
	v5 =	vld.idx.msk [tilespmem:v2+s5+$0x0], $0xffff;
	v13 =	vadd.f32 v16, v14;
	v14 =	vmul.f32 v12, v12  }
0x87: {  	s26 =	sadd.s32 $0x1, s26;
	v9 =	vor.u32 v1, v9;
	v12 =	vmul.u32 $0x48, v15;
	v2 =	vld [tilespmem:s24+$0xFFFFFFD0]  }
0x88: {  	_ =	sdelay $0x2  }
0x89: {  	v13 =	vadd.f32 v14, v13;
	v7 =	vmul.f32 v7, v7  }
0x8a: {  	v10 =	vld.idx.msk [tilespmem:v10+s5+$0x0], $0xffff;
	v11 =	vadd.s32 v0, v11  }
0x8b: {  	v11 =	vor.u32 v1, v11;
	v6 =	vmul.f32 v6, v6;
	v7 =	vadd.f32 v7, v13  }
0x8c: {  	v41 =	vmov s25;
	v4 =	vmul.u32 $0x48, v4;
	v8 =	vld.idx.msk [tilespmem:v8+s5+$0x0], $0xffff;
	v12 =	vadd.s32 v0, v12  }
0x8d: {  	v42 =	vld [tilespmem:s24+$0xFFFFFFE0];
	v12 =	vor.u32 v1, v12;
	v5 =	vmul.f32 v5, v5;
	v6 =	vadd.f32 v6, v7  }
0x8e: {  	v43 =	vld.idx.msk [tilespmem:v9+s5+$0x0], $0xffff;
	v44 =	vand.u32 $0x38, v41;
	v3 =	vmul.u32 $0x48, v3;
	v0 =	vadd.s32 v0, v4  }
0x8f: {  	v45 =	vld [tilespmem:s24+$0xFFFFFFF0];
	v0 =	vor.u32 v1, v0;
	v46 =	vmul.f32 v10, v10;
	v1 =	vadd.f32 v5, v6  }
0x90: {  	v47 =	vand.u32 $0x7, v41;
	v2 =	vmul.u32 $0x48, v2;
	v3 =	vadd.s32 v44, v3;
	v48 =	vld.idx.msk [tilespmem:v11+s5+$0x0], $0xffff  }
0x91: {  	v49 =	vld [tilespmem:s24+$0x0];
	v3 =	vor.u32 v47, v3;
	v50 =	vmul.f32 v8, v8;
	v1 =	vadd.f32 v46, v1  }
0x92: {  	v51 =	vmul.u32 $0x48, v42;
	v2 =	vadd.s32 v44, v2;
	v12 =	vld.idx.msk [tilespmem:v12+s5+$0x0], $0xffff  }
0x93: {  	v52 =	vld [tilespmem:s24+$0x10];
	v53 =	vmul.f32 v43, v43;
	v2 =	vor.u32 v47, v2;
	v1 =	vadd.f32 v50, v1  }
0x94: {  	v54 =	vmul.u32 $0x48, v45;
	v8 =	vadd.s32 v44, v51;
	v0 =	vld.idx.msk [tilespmem:v0+s5+$0x0], $0xffff  }
0x95: {  	v55 =	vld [tilespmem:s24+$0x20];
	v8 =	vor.u32 v47, v8;
	v56 =	vmul.f32 v48, v48;
	v1 =	vadd.f32 v53, v1  }
0x96: {  	v57 =	vmul.u32 $0x48, v49;
	v7 =	vadd.s32 v44, v54;
	v3 =	vld.idx.msk [tilespmem:v3+s5+$0x0], $0xffff  }
0x97: {  	v58 =	vld [tilespmem:s24+$0x30];
	v7 =	vor.u32 v47, v7;
	v59 =	vmul.f32 v12, v12;
	v1 =	vadd.f32 v56, v1  }
0x98: {  	v60 =	vmul.u32 $0x48, v52;
	v10 =	vadd.s32 v44, v57;
	v2 =	vld.idx.msk [tilespmem:v2+s5+$0x0], $0xffff  }
0x99: {  	v10 =	vor.u32 v47, v10;
	v0 =	vmul.f32 v0, v0;
	v1 =	vadd.f32 v59, v1  }
0x9a: {  	v61 =	vmul.u32 $0x48, v55;
	v62 =	vadd.s32 v44, v60;
	v8 =	vld.idx.msk [tilespmem:v8+s5+$0x0], $0xffff  }
0x9b: {  	v9 =	vor.u32 v47, v62;
	v3 =	vmul.f32 v3, v3;
	v0 =	vadd.f32 v0, v1  }
0x9c: {  	v5 =	vadd.s32 v44, v61;
	v7 =	vld.idx.msk [tilespmem:v7+s5+$0x0], $0xffff;
	v1 =	vmul.u32 $0x48, v58  }
0x9d: {  	v5 =	vor.u32 v47, v5;
	v2 =	vmul.f32 v2, v2;
	v0 =	vadd.f32 v3, v0  }
0x9e: {  	v3 =	vld.idx.msk [tilespmem:v10+s5+$0x0], $0xffff;
	v1 =	vadd.s32 v44, v1  }
0x9f: {  	v1 =	vor.u32 v47, v1;
	v0 =	vadd.f32 v2, v0;
	v2 =	vmul.f32 v8, v8  }
0xa0: {  	v63 =	vld.idx.msk [tilespmem:v9+s5+$0x0], $0xffff  }
0xa1: {  	v0 =	vadd.f32 v2, v0;
	v2 =	vmul.f32 v7, v7  }
0xa2: {  	v5 =	vld.idx.msk [tilespmem:v5+s5+$0x0], $0xffff  }
0xa3: {  	v0 =	vadd.f32 v2, v0;
	v2 =	vmul.f32 v3, v3  }
0xa4: {  	v1 =	vld.idx.msk [tilespmem:v1+s5+$0x0], $0xffff  }
0xa5: {  	v0 =	vadd.f32 v2, v0;
	v2 =	vmul.f32 v63, v63  }
0xa6: {  	p0 =	seq.s32 s23, $0xF  }
.Ltmp8:
0xa7: {  	v0 =	vadd.f32 v2, v0;
	v2 =	vmul.f32 v5, v5;
	(pc) =	sbr.rel @p0 .LBB2_20-.Ltmp8, $4  }
0xa8: {  	_ = 	snop  }
0xa9: {  	v1 =	vmul.f32 v1, v1;
	v0 =	vadd.f32 v2, v0  }
0xaa: {  	s0 =	sshll.u32 s23, $0x1  }
0xab: {  	s24 =	sadd.s32 s6, s0;
	v0 =	vadd.f32 v1, v0  }
0xac: {  	s25 =	sadd.s32 $0x2, s24  }
0xad: {  	s0 =	sshll.u32 s25, $0xB  }
0xae: {  	s26 =	sand.u32 $0x1FFFF000, s0  }
0xaf: {  	s29 =	simm.s32 $0x0;
	s28 =	sadd.s32 s1, s26  }
0xb0: {  	s30 =	simm.s32 $0x10;
	s31 =	simm.s32 $0x48;
	s0 =	sadd.s32 $0x0, s28  }
.LBB2_16:
0xb1: {  	[tilespmem:s29], [sflag:$0x1] =	stream.linear.gather [hbm4b:s0+s5], $0x40, $0x38;
	[tilespmem:$0xD010] =	vst v63  }
0xb2: {  	s0 =	smov.u32 s30;
	s29 =	smov.u32 s31;
	p1 =	sne.s32 s30, $0x7F0  }
.Ltmp9:
0xb3: {  	s30 =	sadd.s32 $0x10, s30;
	(pc) =	sbr.rel @p1 .LBB2_16-.Ltmp9, $2  }
0xb4: {  	_ =	sdelay $0x2  }
0xb5: {  	s31 =	sadd.s32 $0x48, s31;
	s0 =	sadd.s32 s0, s28  }
0xb6: {  	[tilespmem:s29], [sflag:$0x1] =	stream.linear.gather [hbm4b:s0+s5], $0x40, $0x38;
	[tilespmem:$0xD010] =	vst v63  }
0xb7: {  	s26 =	sadd.s32 s2, s26;
	s28 =	simm.s32 $0x2400  }
0xb8: {  	s29 =	simm.s32 $0x10;
	s30 =	simm.s32 $0x2448;
	s0 =	sadd.s32 $0x0, s26  }
.LBB2_18:
0xb9: {  	[tilespmem:s28], [sflag:$0x1] =	stream.linear.gather [hbm4b:s0+s5], $0x40, $0x38;
	[tilespmem:$0xD010] =	vst v63  }
0xba: {  	s0 =	smov.u32 s29;
	s28 =	smov.u32 s30;
	p1 =	sne.s32 s29, $0x7F0  }
.Ltmp10:
0xbb: {  	s29 =	sadd.s32 $0x10, s29;
	(pc) =	sbr.rel @p1 .LBB2_18-.Ltmp10, $2  }
0xbc: {  	_ =	sdelay $0x2  }
0xbd: {  	s30 =	sadd.s32 $0x48, s30;
	s0 =	sadd.s32 s0, s26  }
0xbe: {  	[tilespmem:s28], [sflag:$0x1] =	stream.linear.gather [hbm4b:s0+s5], $0x40, $0x38;
	[tilespmem:$0xD010] =	vst v63  }
0xbf: {  	s31 =	sshll.u32 s25, $0xA  }
0xc0: {  	s0 =	sand.u32 $0x1FFFF800, s31  }
0xc1: {  	s0 =	sadd.s32 s3, s0  }
0xc2: {  	[tilespmem:s15], [sflag:$0x1] =	stream.linear.gather [hbm4b:s0+s5], $0x2000, $0x38;
	[tilespmem:$0xD010] =	vst v63  }
.LBB2_20:
0xc3: {  	_ =	swait.ge [sflag:s18], $0x2000  }
0xc4: {  	[sflag:s18] =	ssyncset.done $0x0  }
0xc5: {  	[sflag:s18] =	ssyncadd.s32 $0xFFFFE000  }
0xc6: {  	_ =	swait.ge [sflag:s18], $0x2000  }
0xc7: {  	[sflag:s18] =	ssyncset.done $0x0  }
0xc8: {  	[sflag:s18] =	ssyncadd.s32 $0xFFFFE000  }
0xc9: {  	_ =	swait.ge [sflag:s18], $0x2000  }
0xca: {  	[sflag:s18] =	ssyncset.done $0x0  }
0xcb: {  	s25 =	simm.s32 $0x0;
	[sflag:s18] =	ssyncadd.s32 $0xFFFFE000  }
0xcc: {  	v6 =	vld [tilespmem:s25+$0x8C00]  }
0xcd: {  	v7 =	vld [tilespmem:s25+$0x8C10]  }
0xce: {  	v2 =	vld [tilespmem:s25+$0x8C20]  }
0xcf: {  	v1 =	vld [tilespmem:s25+$0x8C30]  }
0xd0: {  	v3 =	vld [tilespmem:s25+$0x6800]  }
0xd1: {  	v4 =	vld [tilespmem:s25+$0x6810]  }
0xd2: {  	s26 =	simm.s32 $0x0;
	s28 =	simm.s32 $0x120;
	v5 =	vld [tilespmem:s25+$0x6820]  }
.LBB2_21:
0xd3: {  	s0 =	sshra.s32 s28, $0x2;
	p1 =	sne.s32 s28, $0x8EE0;
	v8 =	vld [tilespmem:s25+$0x6830];
	v9 =	vmov v2  }
0xd4: {  	v10 =	vld [tilespmem:s0+$0x8C00];
	v11 =	vmov v1  }
0xd5: {  	v12 =	vld [tilespmem:s0+$0x8C10];
	v3 =	vsub.f32 v3, v6  }
.Ltmp11:
0xd6: {  	v2 =	vld [tilespmem:s0+$0x8C20];
	v4 =	vsub.f32 v4, v7;
	(pc) =	sbr.rel @p1 .LBB2_21-.Ltmp11, $4  }
0xd7: {  	v1 =	vld [tilespmem:s0+$0x8C30];
	[tilespmem:s25+$0x6800] =	vst v3;
	v5 =	vsub.f32 v5, v9  }
0xd8: {  	v3 =	vld [tilespmem:s0+$0x6800];
	[tilespmem:s25+$0x6810] =	vst v4;
	v8 =	vsub.f32 v8, v11  }
0xd9: {  	v4 =	vld [tilespmem:s0+$0x6810];
	[tilespmem:s25+$0x6820] =	vst v5;
	v6 =	vmov v10  }
0xda: {  	s28 =	sadd.s32 $0x120, s28;
	v5 =	vld [tilespmem:s0+$0x6820];
	[tilespmem:s25+$0x6830] =	vst v8;
	v7 =	vmov v12;
	s25 =	smov.u32 s0  }
0xdb: {  	v8 =	vld [tilespmem:s25+$0x6830];
	_ =	sdelay $0x1  }
0xdc: {  	v3 =	vsub.f32 v3, v6  }
0xdd: {  	v4 =	vsub.f32 v4, v7  }
0xde: {  	[tilespmem:s25+$0x6800] =	vst v3;
	v2 =	vsub.f32 v5, v2  }
0xdf: {  	[tilespmem:s25+$0x6810] =	vst v4;
	v1 =	vsub.f32 v8, v1  }
0xe0: {  	[tilespmem:s25+$0x6820] =	vst v2  }
0xe1: {  	s0 =	simm.s32 $0xB040;
	[tilespmem:s25+$0x6830] =	vst v1  }
0xe2: {  	v1 =	vld [tilespmem:s0+$0xFFFFFFC0];
	_ =	sdelay $0x1  }
0xe3: {  	v2 =	vld [tilespmem:s0+$0xFFFFFFD0]  }
0xe4: {  	v3 =	vld [tilespmem:s0+$0xFFFFFFE0];
	_ =	sdelay $0x1  }
0xe5: {  	v4 =	vmov s26;
	v1 =	vmul.u32 $0x48, v1  }
0xe6: {  	v6 =	vand.u32 $0x38, v4;
	v5 =	vld [tilespmem:s0+$0xFFFFFFF0]  }
0xe7: {  	v4 =	vand.u32 $0x7, v4;
	v2 =	vmul.u32 $0x48, v2;
	v1 =	vadd.s32 v6, v1  }
0xe8: {  	v7 =	vld [tilespmem:s0+$0x0];
	v3 =	vmul.u32 $0x48, v3;
	v1 =	vor.u32 v4, v1  }
0xe9: {  	v8 =	vld [tilespmem:s0+$0x10];
	v2 =	vadd.s32 v6, v2  }
0xea: {  	v9 =	vld [tilespmem:s0+$0x20];
	v3 =	vadd.s32 v6, v3;
	v2 =	vor.u32 v4, v2  }
0xeb: {  	s30 =	simm.s32 $0xB0C0;
	v10 =	vld [tilespmem:s0+$0x30];
	v5 =	vmul.u32 $0x48, v5;
	v3 =	vor.u32 v4, v3  }
0xec: {  	v11 =	vld [tilespmem:s30+$0xFFFFFFC0]  }
0xed: {  	v7 =	vmul.u32 $0x48, v7;
	v5 =	vadd.s32 v6, v5;
	v1 =	vld.idx.msk [tilespmem:v1+s19+$0x0], $0xffff  }
0xee: {  	v12 =	vld [tilespmem:s30+$0xFFFFFFD0];
	v8 =	vmul.u32 $0x48, v8;
	v5 =	vor.u32 v4, v5  }
0xef: {  	v9 =	vmul.u32 $0x48, v9;
	v7 =	vadd.s32 v6, v7;
	v2 =	vld.idx.msk [tilespmem:v2+s19+$0x0], $0xffff  }
0xf0: {  	v8 =	vadd.s32 v6, v8;
	v7 =	vor.u32 v4, v7;
	v3 =	vld.idx.msk [tilespmem:v3+s19+$0x0], $0xffff  }
0xf1: {  	s31 =	simm.s32 $0x1;
	v14 =	vld [tilespmem:s30+$0xFFFFFFE0];
	v10 =	vmul.u32 $0x48, v10;
	v9 =	vadd.s32 v6, v9;
	v8 =	vor.u32 v4, v8  }
0xf2: {  	v13 =	vmov s31;
	v16 =	vld [tilespmem:s30+$0xFFFFFFF0];
	v9 =	vor.u32 v4, v9;
	v15 =	vmul.f32 v1, v1  }
0xf3: {  	v11 =	vmul.u32 $0x48, v11;
	v6 =	vadd.s32 v6, v10;
	v10 =	vmul.u32 $0x48, v12;
	v5 =	vld.idx.msk [tilespmem:v5+s19+$0x0], $0xffff  }
0xf4: {  	v12 =	vld [tilespmem:s30+$0x0];
	v4 =	vor.u32 v4, v6;
	v2 =	vmul.f32 v2, v2;
	v15 =	vadd.f32 v15, v0  }
0xf5: {  	v7 =	vld.idx.msk [tilespmem:v7+s19+$0x0], $0xffff;
	v1 =	vand.u32 $0x7, v13;
	v3 =	vmul.f32 v3, v3;
	v0 =	vand.u32 $0x38, v13  }
0xf6: {  	v8 =	vld.idx.msk [tilespmem:v8+s19+$0x0], $0xffff;
	v6 =	vadd.s32 v0, v11;
	v10 =	vadd.s32 v0, v10;
	v2 =	vadd.f32 v2, v15  }
0xf7: {  	v9 =	vld.idx.msk [tilespmem:v9+s19+$0x0], $0xffff;
	v6 =	vor.u32 v1, v6;
	v13 =	vor.u32 v1, v10  }
0xf8: {  	v11 =	vld [tilespmem:s30+$0x10];
	v2 =	vadd.f32 v3, v2;
	v3 =	vmul.f32 v5, v5;
	v5 =	vmul.u32 $0x48, v14  }
0xf9: {  	v15 =	vld [tilespmem:s30+$0x20];
	v10 =	vmul.u32 $0x48, v16  }
0xfa: {  	v2 =	vadd.f32 v3, v2;
	v3 =	vmul.f32 v7, v7;
	v7 =	vld.idx.msk [tilespmem:v4+s19+$0x0], $0xffff;
	v5 =	vadd.s32 v0, v5  }
0xfb: {  	v12 =	vmul.u32 $0x48, v12;
	v14 =	vadd.s32 v0, v10;
	v4 =	vld [tilespmem:s30+$0x30];
	v10 =	vor.u32 v1, v5  }
0xfc: {  	v63 =	vmul.f32 v8, v8;
	v6 =	vld.idx.msk [tilespmem:v6+s19+$0x0], $0xffff;
	v2 =	vadd.f32 v3, v2  }
0xfd: {  	s25 =	simm.s32 $0xB140;
	v12 =	vadd.s32 v0, v12;
	v8 =	vor.u32 v1, v14;
	v5 =	vld.idx.msk [tilespmem:v13+s19+$0x0], $0xffff  }
0xfe: {  	v14 =	vmul.f32 v9, v9;
	v11 =	vmul.u32 $0x48, v11;
	v3 =	vld [tilespmem:s25+$0xFFFFFFC0];
	v13 =	vadd.f32 v63, v2  }
0xff: {  	s28 =	simm.s32 $0x3;
	s26 =	simm.s32 $0x2;
	v9 =	vor.u32 v1, v12;
	v12 =	vmul.u32 $0x48, v15;
	v2 =	vld [tilespmem:s25+$0xFFFFFFD0]  }
.LBB2_23:
0x100: {  	p1 =	sne.s32 s28, $0x3F;
	v10 =	vld.idx.msk [tilespmem:v10+s19+$0x0], $0xffff;
	v11 =	vadd.s32 v0, v11;
	v13 =	vadd.f32 v14, v13;
	v7 =	vmul.f32 v7, v7  }
0x101: {  	v14 =	vmov s26;
	v4 =	vmul.u32 $0x48, v4;
	s26 =	smov.u32 s28;
	v15 =	vld [tilespmem:s25+$0xFFFFFFE0];
	v11 =	vor.u32 v1, v11  }
0x102: {  	v6 =	vmul.f32 v6, v6;
	v12 =	vadd.s32 v0, v12;
	v8 =	vld.idx.msk [tilespmem:v8+s19+$0x0], $0xffff;
	v7 =	vadd.f32 v7, v13  }
0x103: {  	v13 =	vand.u32 $0x7, v14;
	v3 =	vmul.u32 $0x48, v3;
	v12 =	vor.u32 v1, v12;
	v16 =	vld [tilespmem:s25+$0xFFFFFFF0]  }
0x104: {  	v4 =	vadd.s32 v0, v4;
	v5 =	vmul.f32 v5, v5;
	v6 =	vadd.f32 v6, v7;
	v7 =	vld.idx.msk [tilespmem:v9+s19+$0x0], $0xffff  }
0x105: {  	v0 =	vand.u32 $0x38, v14;
	v4 =	vor.u32 v1, v4;
	v1 =	vmovc v13;
	v2 =	vmul.u32 $0x48, v2;
	v9 =	vld [tilespmem:s25+$0x0]  }
0x106: {  	v3 =	vadd.s32 v0, v3;
	v5 =	vadd.f32 v5, v6;
	v6 =	vmul.f32 v10, v10;
	v11 =	vld.idx.msk [tilespmem:v11+s19+$0x0], $0xffff  }
0x107: {  	v3 =	vor.u32 v1, v3;
	v10 =	vmul.u32 $0x48, v15;
	v13 =	vld [tilespmem:s25+$0x10]  }
0x108: {  	v2 =	vadd.s32 v0, v2;
	v5 =	vadd.f32 v6, v5;
	v6 =	vmul.f32 v8, v8;
	v12 =	vld.idx.msk [tilespmem:v12+s19+$0x0], $0xffff  }
0x109: {  	v2 =	vor.u32 v1, v2;
	v8 =	vmul.u32 $0x48, v16;
	v15 =	vld [tilespmem:s25+$0x20]  }
0x10a: {  	v10 =	vadd.s32 v0, v10;
	v14 =	vmul.f32 v7, v7;
	v5 =	vadd.f32 v6, v5;
	v7 =	vld.idx.msk [tilespmem:v4+s19+$0x0], $0xffff  }
.Ltmp12:
0x10b: {  	v10 =	vor.u32 v1, v10;
	v9 =	vmul.u32 $0x48, v9;
	v4 =	vld [tilespmem:s25+$0x30];
	(pc) =	sbr.rel @p1 .LBB2_23-.Ltmp12, $4  }
0x10c: {  	v8 =	vadd.s32 v0, v8;
	s25 =	sadd.s32 $0x80, s25;
	v16 =	vmul.f32 v11, v11;
	v6 =	vld.idx.msk [tilespmem:v3+s19+$0x0], $0xffff;
	v14 =	vadd.f32 v14, v5  }
0x10d: {  	v8 =	vor.u32 v1, v8;
	v11 =	vmul.u32 $0x48, v13;
	v3 =	vld [tilespmem:s25+$0xFFFFFFC0]  }
0x10e: {  	v9 =	vadd.s32 v0, v9;
	v5 =	vld.idx.msk [tilespmem:v2+s19+$0x0], $0xffff;
	v13 =	vadd.f32 v16, v14;
	v14 =	vmul.f32 v12, v12  }
0x10f: {  	s28 =	sadd.s32 $0x1, s28;
	v9 =	vor.u32 v1, v9;
	v12 =	vmul.u32 $0x48, v15;
	v2 =	vld [tilespmem:s25+$0xFFFFFFD0]  }
0x110: {  	_ =	sdelay $0x2  }
0x111: {  	v13 =	vadd.f32 v14, v13;
	v7 =	vmul.f32 v7, v7  }
0x112: {  	v10 =	vld.idx.msk [tilespmem:v10+s19+$0x0], $0xffff;
	v11 =	vadd.s32 v0, v11  }
0x113: {  	v11 =	vor.u32 v1, v11;
	v6 =	vmul.f32 v6, v6;
	v7 =	vadd.f32 v7, v13  }
0x114: {  	v41 =	vmov s26;
	v4 =	vmul.u32 $0x48, v4;
	v8 =	vld.idx.msk [tilespmem:v8+s19+$0x0], $0xffff;
	v12 =	vadd.s32 v0, v12  }
0x115: {  	v42 =	vld [tilespmem:s25+$0xFFFFFFE0];
	v12 =	vor.u32 v1, v12;
	v5 =	vmul.f32 v5, v5;
	v6 =	vadd.f32 v6, v7  }
0x116: {  	v43 =	vld.idx.msk [tilespmem:v9+s19+$0x0], $0xffff;
	v44 =	vand.u32 $0x38, v41;
	v3 =	vmul.u32 $0x48, v3;
	v0 =	vadd.s32 v0, v4  }
0x117: {  	v45 =	vld [tilespmem:s25+$0xFFFFFFF0];
	v0 =	vor.u32 v1, v0;
	v46 =	vmul.f32 v10, v10;
	v1 =	vadd.f32 v5, v6  }
0x118: {  	v47 =	vand.u32 $0x7, v41;
	v2 =	vmul.u32 $0x48, v2;
	v3 =	vadd.s32 v44, v3;
	v48 =	vld.idx.msk [tilespmem:v11+s19+$0x0], $0xffff  }
0x119: {  	v49 =	vld [tilespmem:s25+$0x0];
	v3 =	vor.u32 v47, v3;
	v50 =	vmul.f32 v8, v8;
	v1 =	vadd.f32 v46, v1  }
0x11a: {  	v51 =	vmul.u32 $0x48, v42;
	v2 =	vadd.s32 v44, v2;
	v12 =	vld.idx.msk [tilespmem:v12+s19+$0x0], $0xffff  }
0x11b: {  	v52 =	vld [tilespmem:s25+$0x10];
	v53 =	vmul.f32 v43, v43;
	v2 =	vor.u32 v47, v2;
	v1 =	vadd.f32 v50, v1  }
0x11c: {  	v54 =	vmul.u32 $0x48, v45;
	v8 =	vadd.s32 v44, v51;
	v0 =	vld.idx.msk [tilespmem:v0+s19+$0x0], $0xffff  }
0x11d: {  	v55 =	vld [tilespmem:s25+$0x20];
	v8 =	vor.u32 v47, v8;
	v56 =	vmul.f32 v48, v48;
	v1 =	vadd.f32 v53, v1  }
0x11e: {  	v57 =	vmul.u32 $0x48, v49;
	v7 =	vadd.s32 v44, v54;
	v3 =	vld.idx.msk [tilespmem:v3+s19+$0x0], $0xffff  }
0x11f: {  	v58 =	vld [tilespmem:s25+$0x30];
	v7 =	vor.u32 v47, v7;
	v59 =	vmul.f32 v12, v12;
	v1 =	vadd.f32 v56, v1  }
0x120: {  	v60 =	vmul.u32 $0x48, v52;
	v10 =	vadd.s32 v44, v57;
	v2 =	vld.idx.msk [tilespmem:v2+s19+$0x0], $0xffff  }
0x121: {  	v10 =	vor.u32 v47, v10;
	v0 =	vmul.f32 v0, v0;
	v1 =	vadd.f32 v59, v1  }
0x122: {  	v61 =	vmul.u32 $0x48, v55;
	v62 =	vadd.s32 v44, v60;
	v8 =	vld.idx.msk [tilespmem:v8+s19+$0x0], $0xffff  }
0x123: {  	v9 =	vor.u32 v47, v62;
	v3 =	vmul.f32 v3, v3;
	v0 =	vadd.f32 v0, v1  }
0x124: {  	v5 =	vadd.s32 v44, v61;
	v7 =	vld.idx.msk [tilespmem:v7+s19+$0x0], $0xffff;
	v1 =	vmul.u32 $0x48, v58  }
0x125: {  	v5 =	vor.u32 v47, v5;
	v2 =	vmul.f32 v2, v2;
	v0 =	vadd.f32 v3, v0  }
0x126: {  	v3 =	vld.idx.msk [tilespmem:v10+s19+$0x0], $0xffff;
	v1 =	vadd.s32 v44, v1  }
0x127: {  	v1 =	vor.u32 v47, v1;
	v0 =	vadd.f32 v2, v0;
	v2 =	vmul.f32 v8, v8  }
0x128: {  	v63 =	vld.idx.msk [tilespmem:v9+s19+$0x0], $0xffff  }
0x129: {  	v0 =	vadd.f32 v2, v0;
	v2 =	vmul.f32 v7, v7  }
0x12a: {  	v5 =	vld.idx.msk [tilespmem:v5+s19+$0x0], $0xffff  }
0x12b: {  	v0 =	vadd.f32 v2, v0;
	v2 =	vmul.f32 v3, v3  }
0x12c: {  	v1 =	vld.idx.msk [tilespmem:v1+s19+$0x0], $0xffff  }
0x12d: {  	v0 =	vadd.f32 v2, v0;
	v2 =	vmul.f32 v63, v63;
	_ =	sdelay $0x1  }
.Ltmp13:
0x12e: {  	v0 =	vadd.f32 v2, v0;
	v2 =	vmul.f32 v5, v5;
	(pc) =	sbr.rel @p0 .LBB2_30-.Ltmp13, $3  }
0x12f: {  	_ = 	snop  }
0x130: {  	v1 =	vmul.f32 v1, v1;
	v0 =	vadd.f32 v2, v0;
	_ =	sdelay $0x1  }
0x131: {  	v0 =	vadd.f32 v1, v0  }
0x132: {  	s24 =	sadd.s32 $0x3, s24  }
0x133: {  	s0 =	sshll.u32 s24, $0xB  }
0x134: {  	s25 =	sand.u32 $0x1FFFF800, s0  }
0x135: {  	s28 =	simm.s32 $0x6800;
	s26 =	sadd.s32 s1, s25  }
0x136: {  	s29 =	simm.s32 $0x10;
	s30 =	simm.s32 $0x6848;
	s0 =	sadd.s32 $0x0, s26  }
.LBB2_26:
0x137: {  	[tilespmem:s28], [sflag:$0x2] =	stream.linear.gather [hbm4b:s0+s5], $0x40, $0x38;
	[tilespmem:$0xD010] =	vst v63  }
0x138: {  	s0 =	smov.u32 s29;
	s28 =	smov.u32 s30;
	p0 =	sne.s32 s29, $0x7F0  }
.Ltmp14:
0x139: {  	s29 =	sadd.s32 $0x10, s29;
	(pc) =	sbr.rel @p0 .LBB2_26-.Ltmp14, $2  }
0x13a: {  	_ =	sdelay $0x2  }
0x13b: {  	s30 =	sadd.s32 $0x48, s30;
	s0 =	sadd.s32 s0, s26  }
0x13c: {  	[tilespmem:s28], [sflag:$0x2] =	stream.linear.gather [hbm4b:s0+s5], $0x40, $0x38;
	[tilespmem:$0xD010] =	vst v63  }
0x13d: {  	s25 =	sadd.s32 s2, s25;
	s26 =	simm.s32 $0x8C00  }
0x13e: {  	s28 =	simm.s32 $0x10;
	s29 =	simm.s32 $0x8C48;
	s0 =	sadd.s32 $0x0, s25  }
.LBB2_28:
0x13f: {  	[tilespmem:s26], [sflag:$0x2] =	stream.linear.gather [hbm4b:s0+s5], $0x40, $0x38;
	[tilespmem:$0xD010] =	vst v63  }
0x140: {  	s0 =	smov.u32 s28;
	s26 =	smov.u32 s29;
	p0 =	sne.s32 s28, $0x7F0  }
.Ltmp15:
0x141: {  	s28 =	sadd.s32 $0x10, s28;
	(pc) =	sbr.rel @p0 .LBB2_28-.Ltmp15, $2  }
0x142: {  	_ =	sdelay $0x2  }
0x143: {  	s29 =	sadd.s32 $0x48, s29;
	s0 =	sadd.s32 s0, s25  }
0x144: {  	[tilespmem:s26], [sflag:$0x2] =	stream.linear.gather [hbm4b:s0+s5], $0x40, $0x38;
	[tilespmem:$0xD010] =	vst v63  }
.Ltmp16:
0x145: {  	_ = 	snop;
	(pc) =	sbr.rel .LBB2_10-.Ltmp16, $4  }
0x146: {  	s31 =	sshll.u32 s24, $0xA  }
0x147: {  	s0 =	sand.u32 $0x1FFFFC00, s31  }
0x148: {  	s23 =	sadd.s32 $0x1, s23;
	s0 =	sadd.s32 s3, s0  }
0x149: {  	[tilespmem:s16], [sflag:$0x2] =	stream.linear.gather [hbm4b:s0+s5], $0x2000, $0x38;
	[tilespmem:$0xD010] =	vst v63  }
.LBB2_31:
0x14a: {  	_ =	sfence.sel $0x180000  }
0x14b: {  	[bflag:$0x0] =	sbarrier.arrive $0xFFFF  }
0x14c: {  	_ =	strace $0x90000047  }
0x14d: {  	[bflag:$0x2] =	sbarrier.arrive $0xFFFF  }
0x14e: {  	p0 =	sne.s32 s4, $0x0;
	s0 =	rddreg [dreg:$0x4]  }
0x14f: {  	s0 =	sadd.s32 @!p0 $0x100000, s0  }
0x150: {  	[sflag:s0] =	ssyncadd.tile.s32 @!p0 $0x1;
	_ =	shalt  }
.Lfunc_end2:
_tile_overlayer_lowered:
.L_overlay_start_2:
0x151: {  	(tag) =	ssettag $0x2  }
0x152: {  	s0 =	rddreg [dreg:$0x0];
	s2 =	stileid.u32  }
0x153: {  	s1 =	rddreg [dreg:$0x1];
	p0 =	sne.s32 s2, $0x0  }
0x154: {  	s3 =	rddreg [dreg:$0x2];
	[bflag:$0x3] =	sbarrier.arrive $0xFFFF;
	s2 =	simm.s32 @!p0 $0x1C03  }
0x155: {  	[timem:s3], [sflag:s2] =	dma.local @!p0 [hbm:s0], s1  }
0x156: {  	s0 =	simm.s32 @!p0 $0x3  }
0x157: {  	_ =	swait.ge @!p0 [sflag:s0], s1  }
0x158: {  	s1 =	ssub.s32 @!p0 $0x0, s1;
	[sflag:s0] =	ssyncset.done @!p0 $0x0  }
0x159: {  	[sflag:s0] =	ssyncadd.s32 @!p0 s1  }
0x15a: {  	[bflag:$0x3] =	sbarrier.arrive $0xFFFF  }
0x15b: {  	_ =	shalt  }

</sc_bundles>
